<compile_context>
chip_gen: v7x
topology: tpu7x:2x2x1
jax: 0.10.2.dev20260603
libtpu: 0.0.44.dev20260713+nightly
codegen_flags: <defaults>
</compile_context>

<pallas_src>
import functools

import jax
import jax.numpy as jnp
from jax import lax
from jax.experimental import pallas as pl
from jax.experimental.pallas import tpu as pltpu
from jax.experimental.pallas import tpu_sc as plsc

NN = 10000
NPAD = 10240
D = 128
E = 320000
BATCH = 4096
NC, NS = 2, 16
NW = NC * NS
CH = 128
CPT = 79
EPAD = NW * CPT * CH
RPT = NPAD // NS

_mesh = plsc.VectorSubcoreMesh(core_axis_name="c", subcore_axis_name="s")


@functools.partial(
    pl.kernel,
    out_type=[
        jax.ShapeDtypeStruct((NC, NPAD), jnp.float32),
        jax.ShapeDtypeStruct((BATCH, D), jnp.float32),
    ],
    mesh=_mesh,
    scratch_types=[
        pltpu.VMEM((CPT, CH), jnp.int32),
        pltpu.VMEM((NPAD,), jnp.float32),
        pltpu.VMEM((NS, RPT), jnp.float32),
        pltpu.VMEM((RPT,), jnp.float32),
        pltpu.VMEM((CH,), jnp.int32),
        pltpu.VMEM((CH, D), jnp.float32),
        pltpu.VMEM_SHARED((NS, NPAD), jnp.float32),
        pltpu.SemaphoreType.DMA,
    ],
    compiler_params=pltpu.CompilerParams(needs_layout_passes=False),
)
def _deg_users_kernel(dstp, u_idx, user_table, deg_out, users_out,
                      idxd, hist, cols, osum, idxu, urows, shared, sem):
    c = lax.axis_index("c")
    s = lax.axis_index("s")
    wid = c * NS + s

    pltpu.sync_copy(dstp.at[wid], idxd)

    pltpu.sync_copy(u_idx.at[wid], idxu)
    pltpu.async_copy(user_table.at[idxu], urows, sem).wait()
    pltpu.sync_copy(urows, users_out.at[pl.ds(wid * CH, CH)])

    z16 = jnp.zeros((16,), jnp.float32)

    def zr(j, _):
        hist[pl.ds(j * 16, 16)] = z16
        return 0

    lax.fori_loop(0, NPAD // 16, zr, 0)

    ones16 = jnp.full((16,), 1.0, jnp.float32)

    def hbody(j, _):
        for k in range(CH // 16):
            iv = idxd[j, pl.ds(k * 16, 16)]
            plsc.addupdate_scatter(hist, [iv], ones16)
        return 0

    lax.fori_loop(0, CPT, hbody, 0)

    pltpu.sync_copy(hist, shared.at[s])
    plsc.subcore_barrier()
    pltpu.sync_copy(shared.at[:, pl.ds(s * RPT, RPT)], cols)

    def rbody(j, _):
        v = cols[0, pl.ds(j * 16, 16)]
        for t in range(1, NS):
            v = v + cols[t, pl.ds(j * 16, 16)]
        osum[pl.ds(j * 16, 16)] = v
        return 0

    lax.fori_loop(0, RPT // 16, rbody, 0)
    pltpu.sync_copy(osum, deg_out.at[c, pl.ds(s * RPT, RPT)])


@functools.partial(
    pl.kernel,
    out_type=jax.ShapeDtypeStruct((NC, NPAD, D), jnp.float32),
    mesh=_mesh,
    scratch_types=[
        pltpu.VMEM((CPT, CH), jnp.int32),
        pltpu.VMEM((CPT, CH), jnp.int32),
        pltpu.VMEM((CH, D), jnp.float32),
        pltpu.VMEM_SHARED((NPAD, D), jnp.float32),
        pltpu.SemaphoreType.DMA,
    ],
)
def _edge_scatter_kernel(srcp, dstp, z, zrows, out, idxs, idxd,
                         rows, acc, sem):
    c = lax.axis_index("c")
    s = lax.axis_index("s")
    wid = c * NS + s

    z16 = jnp.zeros((16,), jnp.float32)

    def zrow(j, _):
        for k in range(D // 16):
            rows[j, pl.ds(k * 16, 16)] = z16
        return 0

    lax.fori_loop(0, CH, zrow, 0)
    for t in range(RPT // CH):
        pltpu.sync_copy(rows, acc.at[pl.ds(s * RPT + t * CH, CH)])
    plsc.subcore_barrier()

    pltpu.sync_copy(srcp.at[wid], idxs)
    pltpu.sync_copy(dstp.at[wid], idxd)

    def body(j, _):
        pltpu.async_copy(z.at[idxs.at[j]], rows, sem).wait()
        pltpu.sync_copy(rows, acc.at[idxd.at[j]], add=True)
        return 0

    lax.fori_loop(0, CPT, body, 0)
    plsc.subcore_barrier()

    pltpu.sync_copy(acc.at[pl.ds(s * RPT, RPT)],
                    out.at[c, pl.ds(s * RPT, RPT)])


@functools.partial(
    pl.kernel,
    out_type=jax.ShapeDtypeStruct((BATCH, D), jnp.float32),
    mesh=_mesh,
    scratch_types=[
        pltpu.VMEM((CH,), jnp.int32),
        pltpu.VMEM((CH, D), jnp.float32),
        pltpu.SemaphoreType.DMA,
    ],
)
def _gather_kernel(idx_hbm, table, out, idxv, rows, sem):
    wid = lax.axis_index("c") * NS + lax.axis_index("s")
    pltpu.sync_copy(idx_hbm.at[wid], idxv)
    pltpu.async_copy(table.at[idxv], rows, sem).wait()
    pltpu.sync_copy(rows, out.at[pl.ds(wid * CH, CH)])


def _dis(deg_ref):
    d = deg_ref[0] + deg_ref[1] + 1.0
    return lax.rsqrt(d)


def _renorm_block(x):
    n = jnp.sqrt(jnp.sum(x * x, axis=1, keepdims=True))
    return x * jnp.where(n > 1.0, 1.0 / (n + 1e-7), 1.0)


def _mm(a, b):
    return lax.dot_general(a, b, (((1,), (0,)), ((), ())),
                           preferred_element_type=jnp.float32,
                           precision=lax.Precision.HIGHEST)


_BR = 2048
_GRID = NPAD // _BR


def _k1_body(ent_ref, deg_ref, w_ref, out_ref):
    x = _renorm_block(ent_ref[...])
    out_ref[...] = _mm(x, w_ref[...]) * _dis(deg_ref)


def _k3_body(z_ref, s_ref, deg_ref, b_ref, w_ref, out_ref):
    dis = _dis(deg_ref)
    h = (z_ref[...] + s_ref[0] + s_ref[1]) * dis + b_ref[...]
    out_ref[...] = _mm(jnp.maximum(h, 0.0), w_ref[...]) * dis


def _k5_body(z_ref, s_ref, deg_ref, b_ref, out_ref):
    out_ref[...] = (z_ref[...] + s_ref[0] + s_ref[1]) * _dis(deg_ref) + b_ref[...]


def _k7_body(u_ref, it_ref, out_ref):
    us = _renorm_block(u_ref[...])
    uv = jnp.sum(us * it_ref[...], axis=1, keepdims=True)
    out_ref[...] = jax.nn.sigmoid(uv)


def _row_spec(r3=False):
    if r3:
        return pl.BlockSpec((NC, _BR, D), lambda r: (0, r, 0))
    return pl.BlockSpec((_BR, D), lambda r: (r, 0))


_DEG_SPEC = pl.BlockSpec((NC, _BR, 1), lambda r: (0, r, 0))
_W_SPEC = pl.BlockSpec((D, D), lambda r: (0, 0))
_B_SPEC = pl.BlockSpec((1, D), lambda r: (0, 0))


def kernel(u, i, edge_index, user_table, entity_table, W1, b1, W2, b2):
    src = edge_index[0].astype(jnp.int32)
    dst = edge_index[1].astype(jnp.int32)
    pad = jnp.full((EPAD - E,), NN, jnp.int32)
    srcf = jnp.concatenate([src, pad])
    dstf = jnp.concatenate([dst, pad])
    dstp = dstf.reshape(NW, CPT, CH)
    srcp = srcf.reshape(NW, CPT, CH)
    ent = jnp.concatenate(
        [entity_table, jnp.zeros((NPAD - NN, D), jnp.float32)], axis=0)
    u2 = u.astype(jnp.int32).reshape(NW, CH)
    i2 = i.astype(jnp.int32).reshape(NW, CH)
    b1r = b1.reshape(1, D)
    b2r = b2.reshape(1, D)
    zrows = jnp.zeros((CH, D), jnp.float32)

    deg2, users_raw = _deg_users_kernel(dstp, u2, user_table)
    deg2 = deg2.reshape(NC, NPAD, 1)

    z1 = pl.pallas_call(
        _k1_body, grid=(_GRID,),
        in_specs=[_row_spec(), _DEG_SPEC, _W_SPEC],
        out_specs=_row_spec(),
        out_shape=jax.ShapeDtypeStruct((NPAD, D), jnp.float32),
    )(ent, deg2, W1)

    s1 = _edge_scatter_kernel(srcp, dstp, z1, zrows)

    z2 = pl.pallas_call(
        _k3_body, grid=(_GRID,),
        in_specs=[_row_spec(), _row_spec(True), _DEG_SPEC, _B_SPEC, _W_SPEC],
        out_specs=_row_spec(),
        out_shape=jax.ShapeDtypeStruct((NPAD, D), jnp.float32),
    )(z1, s1, deg2, b1r, W2)

    s2 = _edge_scatter_kernel(srcp, dstp, z2, zrows)

    x2 = pl.pallas_call(
        _k5_body, grid=(_GRID,),
        in_specs=[_row_spec(), _row_spec(True), _DEG_SPEC, _B_SPEC],
        out_specs=_row_spec(),
        out_shape=jax.ShapeDtypeStruct((NPAD, D), jnp.float32),
    )(z2, s2, deg2, b2r)

    items = _gather_kernel(i2, x2)

    uv = pl.pallas_call(
        _k7_body, grid=(2,),
        in_specs=[pl.BlockSpec((BATCH // 2, D), lambda r: (r, 0)),
                  pl.BlockSpec((BATCH // 2, D), lambda r: (r, 0))],
        out_specs=pl.BlockSpec((BATCH // 2, 1), lambda r: (r, 0)),
        out_shape=jax.ShapeDtypeStruct((BATCH, 1), jnp.float32),
    )(users_raw, items)

    return uv.reshape(BATCH)

# --- scband reference (transcript-rebuilt; emitter-appended) ---
"""Pipeline reference for scband-gcn4-rec-15023795602160 (READ-ONLY COPY).

The authoritative reference and input builder live on the scoring server;
editing this copy changes nothing except your own understanding.
"""

import jax, jax.numpy as jnp
import numpy as np

N_USERS = 100000
N_ENTITYS = 10000
DIM = 128
HIDDEN = 128
N_EDGES = 320000
BATCH = 4096


def _renorm(table, max_norm=1.0, eps=1e-7):
    # torch nn.Embedding(max_norm=1): rows with norm > max_norm are rescaled to max_norm
    n = jnp.linalg.norm(table, axis=-1, keepdims=True)
    scale = jnp.where(n > max_norm, max_norm / (n + eps), 1.0)
    return table * scale


def _gcn_conv(x, W, b, src, dst, num_nodes):
    # PyG GCNConv: linear transform, add self-loops, symmetric normalization, scatter-add aggregate
    x = x @ W
    sl = jnp.arange(num_nodes, dtype=src.dtype)
    row = jnp.concatenate([src, sl])  # source nodes (messages flow row -> col)
    col = jnp.concatenate([dst, sl])
    ew = jnp.ones(row.shape[0], dtype=x.dtype)
    deg = jnp.zeros((num_nodes,), dtype=x.dtype).at[col].add(ew)
    deg_inv_sqrt = jnp.where(deg > 0, jax.lax.rsqrt(jnp.maximum(deg, 1e-12)), 0.0)
    norm = deg_inv_sqrt[row] * deg_inv_sqrt[col]
    msgs = x[row] * norm[:, None]
    out = jnp.zeros((num_nodes, x.shape[1]), dtype=x.dtype).at[col].add(msgs)
    return out + b


def setup_inputs(seed: int = 0) -> dict:
    key = jax.random.key(seed)
    ks = jax.random.split(key, 9)
    u = jax.random.randint(ks[0], (BATCH,), 0, N_USERS, dtype=jnp.int64 if jax.config.jax_enable_x64 else jnp.int32)
    i = jax.random.randint(ks[1], (BATCH,), 0, N_ENTITYS, dtype=u.dtype)
    edge_index = jax.random.randint(ks[2], (2, N_EDGES), 0, N_ENTITYS, dtype=u.dtype)
    user_table = jax.random.normal(ks[3], (N_USERS, DIM), dtype=jnp.float32)
    entity_table = jax.random.normal(ks[4], (N_ENTITYS, DIM), dtype=jnp.float32)
    s1 = 1.0 / np.sqrt(DIM)
    W1 = jax.random.uniform(ks[5], (DIM, HIDDEN), minval=-s1, maxval=s1, dtype=jnp.float32)
    b1 = jnp.zeros((HIDDEN,), dtype=jnp.float32)
    s2 = 1.0 / np.sqrt(HIDDEN)
    W2 = jax.random.uniform(ks[6], (HIDDEN, DIM), minval=-s2, maxval=s2, dtype=jnp.float32)
    b2 = jnp.zeros((DIM,), dtype=jnp.float32)
    return {"u": u, "i": i, "edge_index": edge_index, "user_table": user_table,
            "entity_table": entity_table, "W1": W1, "b1": b1, "W2": W2, "b2": b2}


def reference(u, i, edge_index, user_table, entity_table, W1, b1, W2, b2):
    src, dst = edge_index[0], edge_index[1]
    # gnnForward: embed ALL entities (with max_norm renorm), 2 GCN layers
    x = _renorm(entity_table)
    x = jax.nn.relu(_gcn_conv(x, W1, b1, src, dst, N_ENTITYS))
    # F.dropout treated as identity (deterministic reference / eval)
    x = _gcn_conv(x, W2, b2, src, dst, N_ENTITYS)
    items = x[i]
    users = _renorm(user_table)[u]
    uv = jnp.sum(users * items, axis=1)
    return jax.nn.sigmoid(uv)

if __name__ == "__main__":
    import jax
    _d = setup_inputs()
    print(jax.jit(kernel)(*tuple(_d.values())))

</pallas_src>

<mosaic_0001>
#map = affine_map<(d0, d1) -> (0, 0, 0)>
#map1 = affine_map<(d0, d1) -> (0, 0)>
module attributes {stable_mosaic.version = 14 : i64} {
  func.func @_deg_users_kernel(%arg0: i32, %arg1: i32, %arg2: memref<32x79x128xi32, #tpu.memory_space<hbm>>, %arg3: memref<32x128xi32, #tpu.memory_space<hbm>>, %arg4: memref<100000x128xf32, #tpu.memory_space<hbm>>, %arg5: memref<2x10240xf32, #tpu.memory_space<hbm>>, %arg6: memref<4096x128xf32, #tpu.memory_space<hbm>>, %arg7: memref<79x128xi32, #tpu.memory_space<vmem>>, %arg8: memref<10240xf32, #tpu.memory_space<vmem>>, %arg9: memref<16x640xf32, #tpu.memory_space<vmem>>, %arg10: memref<640xf32, #tpu.memory_space<vmem>>, %arg11: memref<128xi32, #tpu.memory_space<vmem>>, %arg12: memref<128x128xf32, #tpu.memory_space<vmem>>, %arg13: memref<16x10240xf32, #tpu.memory_space<vmem_shared>>, %arg14: memref<!tpu.dma_semaphore, #tpu.memory_space<semaphore_mem>>) attributes {dimension_semantics = [#tpu.dimension_semantics<core_parallel>, #tpu.dimension_semantics<subcore_parallel>], iteration_bounds = array<i64: 2, 16>, scalar_prefetch = 0 : i64, scratch_operands = 8 : i64, tpu.core_type = #tpu.core_type<sc_vector_subcore>, window_params = [{transform_indices = #map}, {transform_indices = #map1}, {transform_indices = #map1}, {transform_indices = #map1}, {transform_indices = #map1}]} {
    %mul3A = arith.constant 16 : i32
    %mul3A_0 = arith.muli %arg0, %mul3A : i32
    %add3A = arith.addi %mul3A_0, %arg1 : i32
    "tpu.region"() ({
      %run_scoped3A = tpu.sem_alloc : memref<!tpu.dma_semaphore, #tpu.memory_space<semaphore_mem>>
      %dma_start3A_34 = arith.constant 0 : i32
      %dma_start3A_35 = arith.constant 0 : i32
      %dma_start3A_36 = tpu.memref_slice %arg2[%add3A, %dma_start3A_34, %dma_start3A_35] : memref<32x79x128xi32, #tpu.memory_space<hbm>> -> memref<1x79x128xi32, #tpu.memory_space<hbm>>
      %dma_start3A_37 = tpu.memref_squeeze %dma_start3A_36 : memref<1x79x128xi32, #tpu.memory_space<hbm>> -> memref<79x128xi32, #tpu.memory_space<hbm>>
      %dma_start3A_38 = arith.constant 0 : i32
      %dma_start3A_39 = arith.constant 0 : i32
      %dma_start3A_40 = tpu.memref_slice %arg2[%add3A, %dma_start3A_38, %dma_start3A_39] : memref<32x79x128xi32, #tpu.memory_space<hbm>> -> memref<1x79x128xi32, #tpu.memory_space<hbm>>
      %dma_start3A_41 = tpu.memref_squeeze %dma_start3A_40 : memref<1x79x128xi32, #tpu.memory_space<hbm>> -> memref<79x128xi32, #tpu.memory_space<hbm>>
      tpu.enqueue_dma source(%dma_start3A_41 : memref<79x128xi32, #tpu.memory_space<hbm>>) target(%arg7 : memref<79x128xi32, #tpu.memory_space<vmem>>) target_semaphore(%run_scoped3A : memref<!tpu.dma_semaphore, #tpu.memory_space<semaphore_mem>>)
      %dma_wait3A_42 = arith.constant 0 : i32
      %dma_wait3A_43 = arith.constant 0 : i32
      %dma_wait3A_44 = tpu.memref_slice %arg2[%add3A, %dma_wait3A_42, %dma_wait3A_43] : memref<32x79x128xi32, #tpu.memory_space<hbm>> -> memref<1x79x128xi32, #tpu.memory_space<hbm>>
      %dma_wait3A_45 = tpu.memref_squeeze %dma_wait3A_44 : memref<1x79x128xi32, #tpu.memory_space<hbm>> -> memref<79x128xi32, #tpu.memory_space<hbm>>
      %dma_wait3A_46 = arith.constant 0 : i32
      %dma_wait3A_47 = arith.constant 0 : i32
      %dma_wait3A_48 = tpu.memref_slice %arg2[%add3A, %dma_wait3A_46, %dma_wait3A_47] : memref<32x79x128xi32, #tpu.memory_space<hbm>> -> memref<1x79x128xi32, #tpu.memory_space<hbm>>
      %dma_wait3A_49 = tpu.memref_squeeze %dma_wait3A_48 : memref<1x79x128xi32, #tpu.memory_space<hbm>> -> memref<79x128xi32, #tpu.memory_space<hbm>>
      tpu.wait_dma2 semaphore(%run_scoped3A : memref<!tpu.dma_semaphore, #tpu.memory_space<semaphore_mem>>) src(%dma_wait3A_49 : memref<79x128xi32, #tpu.memory_space<hbm>>) dst(%arg7 : memref<79x128xi32, #tpu.memory_space<vmem>>)
      tpu.yield
    }) : () -> ()
    "tpu.region"() ({
      %run_scoped3A = tpu.sem_alloc : memref<!tpu.dma_semaphore, #tpu.memory_space<semaphore_mem>>
      %dma_start3A_34 = arith.constant 0 : i32
      %dma_start3A_35 = tpu.memref_slice %arg3[%add3A, %dma_start3A_34] : memref<32x128xi32, #tpu.memory_space<hbm>> -> memref<1x128xi32, #tpu.memory_space<hbm>>
      %dma_start3A_36 = tpu.memref_squeeze %dma_start3A_35 : memref<1x128xi32, #tpu.memory_space<hbm>> -> memref<128xi32, #tpu.memory_space<hbm>>
      %dma_start3A_37 = arith.constant 0 : i32
      %dma_start3A_38 = tpu.memref_slice %arg3[%add3A, %dma_start3A_37] : memref<32x128xi32, #tpu.memory_space<hbm>> -> memref<1x128xi32, #tpu.memory_space<hbm>>
      %dma_start3A_39 = tpu.memref_squeeze %dma_start3A_38 : memref<1x128xi32, #tpu.memory_space<hbm>> -> memref<128xi32, #tpu.memory_space<hbm>>
      tpu.enqueue_dma source(%dma_start3A_39 : memref<128xi32, #tpu.memory_space<hbm>>) target(%arg11 : memref<128xi32, #tpu.memory_space<vmem>>) target_semaphore(%run_scoped3A : memref<!tpu.dma_semaphore, #tpu.memory_space<semaphore_mem>>)
      %dma_wait3A_40 = arith.constant 0 : i32
      %dma_wait3A_41 = tpu.memref_slice %arg3[%add3A, %dma_wait3A_40] : memref<32x128xi32, #tpu.memory_space<hbm>> -> memref<1x128xi32, #tpu.memory_space<hbm>>
      %dma_wait3A_42 = tpu.memref_squeeze %dma_wait3A_41 : memref<1x128xi32, #tpu.memory_space<hbm>> -> memref<128xi32, #tpu.memory_space<hbm>>
      %dma_wait3A_43 = arith.constant 0 : i32
      %dma_wait3A_44 = tpu.memref_slice %arg3[%add3A, %dma_wait3A_43] : memref<32x128xi32, #tpu.memory_space<hbm>> -> memref<1x128xi32, #tpu.memory_space<hbm>>
      %dma_wait3A_45 = tpu.memref_squeeze %dma_wait3A_44 : memref<1x128xi32, #tpu.memory_space<hbm>> -> memref<128xi32, #tpu.memory_space<hbm>>
      tpu.wait_dma2 semaphore(%run_scoped3A : memref<!tpu.dma_semaphore, #tpu.memory_space<semaphore_mem>>) src(%dma_wait3A_45 : memref<128xi32, #tpu.memory_space<hbm>>) dst(%arg11 : memref<128xi32, #tpu.memory_space<vmem>>)
      tpu.yield
    }) : () -> ()
    %dma_start3A = arith.constant 0 : i32
    %dma_start3A_1 = arith.constant 0 : i32
    %dma_start3A_2 = tpu.memref_slice %arg4[%dma_start3A, %dma_start3A_1] : memref<100000x128xf32, #tpu.memory_space<hbm>> -> memref<100000x128xf32, #tpu.memory_space<hbm>>
    tpu.enqueue_indirect_dma source(%dma_start3A_2 : memref<100000x128xf32, #tpu.memory_space<hbm>>) target(%arg12 : memref<128x128xf32, #tpu.memory_space<vmem>>) offsets(%arg11 : memref<128xi32, #tpu.memory_space<vmem>>) semaphore(%arg14 : memref<!tpu.dma_semaphore, #tpu.memory_space<semaphore_mem>>)
    %dma_wait3A = arith.constant 0 : i32
    %dma_wait3A_3 = arith.constant 0 : i32
    %dma_wait3A_4 = tpu.memref_slice %arg4[%dma_wait3A, %dma_wait3A_3] : memref<100000x128xf32, #tpu.memory_space<hbm>> -> memref<100000x128xf32, #tpu.memory_space<hbm>>
    tpu.wait_indirect_dma semaphore(%arg14 : memref<!tpu.dma_semaphore, #tpu.memory_space<semaphore_mem>>) src(%dma_wait3A_4 : memref<100000x128xf32, #tpu.memory_space<hbm>>) dst(%arg12 : memref<128x128xf32, #tpu.memory_space<vmem>>)
    %mul3A_5 = arith.constant 128 : i32
    %mul3A_6 = arith.muli %add3A, %mul3A_5 : i32
    "tpu.region"() ({
      %run_scoped3A = tpu.sem_alloc : memref<!tpu.dma_semaphore, #tpu.memory_space<semaphore_mem>>
      %dma_start3A_34 = arith.constant 0 : i32
      %dma_start3A_35 = tpu.memref_slice %arg6[%mul3A_6, %dma_start3A_34] : memref<4096x128xf32, #tpu.memory_space<hbm>> -> memref<128x128xf32, #tpu.memory_space<hbm>>
      %dma_start3A_36 = arith.constant 0 : i32
      %dma_start3A_37 = tpu.memref_slice %arg6[%mul3A_6, %dma_start3A_36] : memref<4096x128xf32, #tpu.memory_space<hbm>> -> memref<128x128xf32, #tpu.memory_space<hbm>>
      tpu.enqueue_dma source(%arg12 : memref<128x128xf32, #tpu.memory_space<vmem>>) target(%dma_start3A_37 : memref<128x128xf32, #tpu.memory_space<hbm>>) target_semaphore(%run_scoped3A : memref<!tpu.dma_semaphore, #tpu.memory_space<semaphore_mem>>)
      %dma_wait3A_38 = arith.constant 0 : i32
      %dma_wait3A_39 = tpu.memref_slice %arg6[%mul3A_6, %dma_wait3A_38] : memref<4096x128xf32, #tpu.memory_space<hbm>> -> memref<128x128xf32, #tpu.memory_space<hbm>>
      %dma_wait3A_40 = arith.constant 0 : i32
      %dma_wait3A_41 = tpu.memref_slice %arg6[%mul3A_6, %dma_wait3A_40] : memref<4096x128xf32, #tpu.memory_space<hbm>> -> memref<128x128xf32, #tpu.memory_space<hbm>>
      tpu.wait_dma2 semaphore(%run_scoped3A : memref<!tpu.dma_semaphore, #tpu.memory_space<semaphore_mem>>) src(%arg12 : memref<128x128xf32, #tpu.memory_space<vmem>>) dst(%dma_wait3A_41 : memref<128x128xf32, #tpu.memory_space<hbm>>)
      tpu.yield
    }) : () -> ()
    %broadcast_in_dim3A = arith.constant 0.000000e+00 : f32
    %broadcast_in_dim3A_7 = vector.broadcast %broadcast_in_dim3A : f32 to vector<16xf32>
    %scan3A = arith.constant 0 : i32
    %scan3A_8 = arith.constant 0 : i32
    %scan3A_9 = arith.constant 640 : i32
    %scan3A_10 = arith.addi %scan3A_8, %scan3A_9 : i32
    %scan3A_11 = arith.constant 1 : i32
    %scan3A_12 = scf.for %scan3A_34 = %scan3A_8 to %scan3A_10 step %scan3A_11 iter_args(%scan3A_35 = %scan3A) -> (i32)  : i32 {
      %mul3A_36 = arith.constant 16 : i32
      %mul3A_37 = arith.muli %scan3A_34, %mul3A_36 : i32
      %swap3A = arith.index_cast %mul3A_37 : i32 to index
      %swap3A_38 = tpu.vector_load %arg8[%swap3A] {strides = array<i32>} : memref<10240xf32, #tpu.memory_space<vmem>>, vector<16xf32>,
      tpu.vector_store %arg8[%swap3A], %broadcast_in_dim3A_7 {strides = array<i32>} : memref<10240xf32, #tpu.memory_space<vmem>>, vector<16xf32>,
      %scan3A_39 = arith.constant 0 : i32
      scf.yield %scan3A_39 : i32
    }
    %scan3A_13 = arith.constant 640 : i32
    %broadcast_in_dim3A_14 = arith.constant 1.000000e+00 : f32
    %broadcast_in_dim3A_15 = vector.broadcast %broadcast_in_dim3A_14 : f32 to vector<16xf32>
    %scan3A_16 = arith.constant 0 : i32
    %scan3A_17 = arith.constant 0 : i32
    %scan3A_18 = arith.constant 79 : i32
    %scan3A_19 = arith.addi %scan3A_17, %scan3A_18 : i32
    %scan3A_20 = arith.constant 1 : i32
    %scan3A_21 = scf.for %scan3A_34 = %scan3A_17 to %scan3A_19 step %scan3A_20 iter_args(%scan3A_35 = %scan3A_16) -> (i32)  : i32 {
      %get3A = arith.index_cast %scan3A_34 : i32 to index
      %get3A_36 = arith.constant 0 : index
      %get3A_37 = tpu.vector_load %arg7[%get3A, %get3A_36] {strides = array<i32>} : memref<79x128xi32, #tpu.memory_space<vmem>>, vector<16xi32>,
      tpu.vector_store_idx %arg8[%get3A_37], %broadcast_in_dim3A_15 {add = true} : memref<10240xf32, #tpu.memory_space<vmem>>[vector<16xi32>], vector<16xf32>,
      %get3A_38 = arith.index_cast %scan3A_34 : i32 to index
      %get3A_39 = arith.constant 16 : index
      %get3A_40 = tpu.vector_load %arg7[%get3A_38, %get3A_39] {strides = array<i32>} : memref<79x128xi32, #tpu.memory_space<vmem>>, vector<16xi32>,
      tpu.vector_store_idx %arg8[%get3A_40], %broadcast_in_dim3A_15 {add = true} : memref<10240xf32, #tpu.memory_space<vmem>>[vector<16xi32>], vector<16xf32>,
      %get3A_41 = arith.index_cast %scan3A_34 : i32 to index
      %get3A_42 = arith.constant 32 : index
      %get3A_43 = tpu.vector_load %arg7[%get3A_41, %get3A_42] {strides = array<i32>} : memref<79x128xi32, #tpu.memory_space<vmem>>, vector<16xi32>,
      tpu.vector_store_idx %arg8[%get3A_43], %broadcast_in_dim3A_15 {add = true} : memref<10240xf32, #tpu.memory_space<vmem>>[vector<16xi32>], vector<16xf32>,
      %get3A_44 = arith.index_cast %scan3A_34 : i32 to index
      %get3A_45 = arith.constant 48 : index
      %get3A_46 = tpu.vector_load %arg7[%get3A_44, %get3A_45] {strides = array<i32>} : memref<79x128xi32, #tpu.memory_space<vmem>>, vector<16xi32>,
      tpu.vector_store_idx %arg8[%get3A_46], %broadcast_in_dim3A_15 {add = true} : memref<10240xf32, #tpu.memory_space<vmem>>[vector<16xi32>], vector<16xf32>,
      %get3A_47 = arith.index_cast %scan3A_34 : i32 to index
      %get3A_48 = arith.constant 64 : index
      %get3A_49 = tpu.vector_load %arg7[%get3A_47, %get3A_48] {strides = array<i32>} : memref<79x128xi32, #tpu.memory_space<vmem>>, vector<16xi32>,
      tpu.vector_store_idx %arg8[%get3A_49], %broadcast_in_dim3A_15 {add = true} : memref<10240xf32, #tpu.memory_space<vmem>>[vector<16xi32>], vector<16xf32>,
      %get3A_50 = arith.index_cast %scan3A_34 : i32 to index
      %get3A_51 = arith.constant 80 : index
      %get3A_52 = tpu.vector_load %arg7[%get3A_50, %get3A_51] {strides = array<i32>} : memref<79x128xi32, #tpu.memory_space<vmem>>, vector<16xi32>,
      tpu.vector_store_idx %arg8[%get3A_52], %broadcast_in_dim3A_15 {add = true} : memref<10240xf32, #tpu.memory_space<vmem>>[vector<16xi32>], vector<16xf32>,
      %get3A_53 = arith.index_cast %scan3A_34 : i32 to index
      %get3A_54 = arith.constant 96 : index
      %get3A_55 = tpu.vector_load %arg7[%get3A_53, %get3A_54] {strides = array<i32>} : memref<79x128xi32, #tpu.memory_space<vmem>>, vector<16xi32>,
      tpu.vector_store_idx %arg8[%get3A_55], %broadcast_in_dim3A_15 {add = true} : memref<10240xf32, #tpu.memory_space<vmem>>[vector<16xi32>], vector<16xf32>,
      %get3A_56 = arith.index_cast %scan3A_34 : i32 to index
      %get3A_57 = arith.constant 112 : index
      %get3A_58 = tpu.vector_load %arg7[%get3A_56, %get3A_57] {strides = array<i32>} : memref<79x128xi32, #tpu.memory_space<vmem>>, vector<16xi32>,
      tpu.vector_store_idx %arg8[%get3A_58], %broadcast_in_dim3A_15 {add = true} : memref<10240xf32, #tpu.memory_space<vmem>>[vector<16xi32>], vector<16xf32>,
      %scan3A_59 = arith.constant 0 : i32
      scf.yield %scan3A_59 : i32
    }
    %scan3A_22 = arith.constant 79 : i32
    "tpu.region"() ({
      %run_scoped3A = tpu.sem_alloc : memref<!tpu.dma_semaphore, #tpu.memory_space<semaphore_mem>>
      %dma_start3A_34 = arith.constant 0 : i32
      %dma_start3A_35 = tpu.memref_slice %arg13[%arg1, %dma_start3A_34] : memref<16x10240xf32, #tpu.memory_space<vmem_shared>> -> memref<1x10240xf32, #tpu.memory_space<vmem_shared>>
      %dma_start3A_36 = tpu.memref_squeeze %dma_start3A_35 : memref<1x10240xf32, #tpu.memory_space<vmem_shared>> -> memref<10240xf32, #tpu.memory_space<vmem_shared>>
      %dma_start3A_37 = arith.constant 0 : i32
      %dma_start3A_38 = tpu.memref_slice %arg13[%arg1, %dma_start3A_37] : memref<16x10240xf32, #tpu.memory_space<vmem_shared>> -> memref<1x10240xf32, #tpu.memory_space<vmem_shared>>
      %dma_start3A_39 = tpu.memref_squeeze %dma_start3A_38 : memref<1x10240xf32, #tpu.memory_space<vmem_shared>> -> memref<10240xf32, #tpu.memory_space<vmem_shared>>
      tpu.enqueue_dma source(%arg8 : memref<10240xf32, #tpu.memory_space<vmem>>) target(%dma_start3A_39 : memref<10240xf32, #tpu.memory_space<vmem_shared>>) target_semaphore(%run_scoped3A : memref<!tpu.dma_semaphore, #tpu.memory_space<semaphore_mem>>)
      %dma_wait3A_40 = arith.constant 0 : i32
      %dma_wait3A_41 = tpu.memref_slice %arg13[%arg1, %dma_wait3A_40] : memref<16x10240xf32, #tpu.memory_space<vmem_shared>> -> memref<1x10240xf32, #tpu.memory_space<vmem_shared>>
      %dma_wait3A_42 = tpu.memref_squeeze %dma_wait3A_41 : memref<1x10240xf32, #tpu.memory_space<vmem_shared>> -> memref<10240xf32, #tpu.memory_space<vmem_shared>>
      %dma_wait3A_43 = arith.constant 0 : i32
      %dma_wait3A_44 = tpu.memref_slice %arg13[%arg1, %dma_wait3A_43] : memref<16x10240xf32, #tpu.memory_space<vmem_shared>> -> memref<1x10240xf32, #tpu.memory_space<vmem_shared>>
      %dma_wait3A_45 = tpu.memref_squeeze %dma_wait3A_44 : memref<1x10240xf32, #tpu.memory_space<vmem_shared>> -> memref<10240xf32, #tpu.memory_space<vmem_shared>>
      tpu.wait_dma2 semaphore(%run_scoped3A : memref<!tpu.dma_semaphore, #tpu.memory_space<semaphore_mem>>) src(%arg8 : memref<10240xf32, #tpu.memory_space<vmem>>) dst(%dma_wait3A_45 : memref<10240xf32, #tpu.memory_space<vmem_shared>>)
      tpu.yield
    }) : () -> ()
    %barrier3A = arith.constant 0 : index
    tpu.barrier barrier_id(%barrier3A)
    %mul3A_23 = arith.constant 640 : i32
    %mul3A_24 = arith.muli %arg1, %mul3A_23 : i32
    "tpu.region"() ({
      %run_scoped3A = tpu.sem_alloc : memref<!tpu.dma_semaphore, #tpu.memory_space<semaphore_mem>>
      %dma_start3A_34 = arith.constant 0 : i32
      %dma_start3A_35 = tpu.memref_slice %arg13[%dma_start3A_34, %mul3A_24] : memref<16x10240xf32, #tpu.memory_space<vmem_shared>> -> memref<16x640xf32, #tpu.memory_space<vmem_shared>>
      %dma_start3A_36 = arith.constant 0 : i32
      %dma_start3A_37 = tpu.memref_slice %arg13[%dma_start3A_36, %mul3A_24] : memref<16x10240xf32, #tpu.memory_space<vmem_shared>> -> memref<16x640xf32, #tpu.memory_space<vmem_shared>>
      tpu.enqueue_dma source(%dma_start3A_37 : memref<16x640xf32, #tpu.memory_space<vmem_shared>>) target(%arg9 : memref<16x640xf32, #tpu.memory_space<vmem>>) target_semaphore(%run_scoped3A : memref<!tpu.dma_semaphore, #tpu.memory_space<semaphore_mem>>)
      %dma_wait3A_38 = arith.constant 0 : i32
      %dma_wait3A_39 = tpu.memref_slice %arg13[%dma_wait3A_38, %mul3A_24] : memref<16x10240xf32, #tpu.memory_space<vmem_shared>> -> memref<16x640xf32, #tpu.memory_space<vmem_shared>>
      %dma_wait3A_40 = arith.constant 0 : i32
      %dma_wait3A_41 = tpu.memref_slice %arg13[%dma_wait3A_40, %mul3A_24] : memref<16x10240xf32, #tpu.memory_space<vmem_shared>> -> memref<16x640xf32, #tpu.memory_space<vmem_shared>>
      tpu.wait_dma2 semaphore(%run_scoped3A : memref<!tpu.dma_semaphore, #tpu.memory_space<semaphore_mem>>) src(%dma_wait3A_41 : memref<16x640xf32, #tpu.memory_space<vmem_shared>>) dst(%arg9 : memref<16x640xf32, #tpu.memory_space<vmem>>)
      tpu.yield
    }) : () -> ()
    %scan3A_25 = arith.constant 0 : i32
    %scan3A_26 = arith.constant 0 : i32
    %scan3A_27 = arith.constant 40 : i32
    %scan3A_28 = arith.addi %scan3A_26, %scan3A_27 : i32
    %scan3A_29 = arith.constant 1 : i32
    %scan3A_30 = scf.for %scan3A_34 = %scan3A_26 to %scan3A_28 step %scan3A_29 iter_args(%scan3A_35 = %scan3A_25) -> (i32)  : i32 {
      %mul3A_36 = arith.constant 16 : i32
      %mul3A_37 = arith.muli %scan3A_34, %mul3A_36 : i32
      %get3A = arith.constant 0 : i32
      %get3A_38 = arith.index_cast %get3A : i32 to index
      %get3A_39 = arith.index_cast %mul3A_37 : i32 to index
      %get3A_40 = tpu.vector_load %arg9[%get3A_38, %get3A_39] {strides = array<i32>} : memref<16x640xf32, #tpu.memory_space<vmem>>, vector<16xf32>,
      %mul3A_41 = arith.constant 16 : i32
      %mul3A_42 = arith.muli %scan3A_34, %mul3A_41 : i32
      %get3A_43 = arith.constant 1 : i32
      %get3A_44 = arith.index_cast %get3A_43 : i32 to index
      %get3A_45 = arith.index_cast %mul3A_42 : i32 to index
      %get3A_46 = tpu.vector_load %arg9[%get3A_44, %get3A_45] {strides = array<i32>} : memref<16x640xf32, #tpu.memory_space<vmem>>, vector<16xf32>,
      %add3A_47 = arith.addf %get3A_40, %get3A_46 : vector<16xf32>
      %mul3A_48 = arith.constant 16 : i32
      %mul3A_49 = arith.muli %scan3A_34, %mul3A_48 : i32
      %get3A_50 = arith.constant 2 : i32
      %get3A_51 = arith.index_cast %get3A_50 : i32 to index
      %get3A_52 = arith.index_cast %mul3A_49 : i32 to index
      %get3A_53 = tpu.vector_load %arg9[%get3A_51, %get3A_52] {strides = array<i32>} : memref<16x640xf32, #tpu.memory_space<vmem>>, vector<16xf32>,
      %add3A_54 = arith.addf %add3A_47, %get3A_53 : vector<16xf32>
      %mul3A_55 = arith.constant 16 : i32
      %mul3A_56 = arith.muli %scan3A_34, %mul3A_55 : i32
      %get3A_57 = arith.constant 3 : i32
      %get3A_58 = arith.index_cast %get3A_57 : i32 to index
      %get3A_59 = arith.index_cast %mul3A_56 : i32 to index
      %get3A_60 = tpu.vector_load %arg9[%get3A_58, %get3A_59] {strides = array<i32>} : memref<16x640xf32, #tpu.memory_space<vmem>>, vector<16xf32>,
      %add3A_61 = arith.addf %add3A_54, %get3A_60 : vector<16xf32>
      %mul3A_62 = arith.constant 16 : i32
      %mul3A_63 = arith.muli %scan3A_34, %mul3A_62 : i32
      %get3A_64 = arith.constant 4 : i32
      %get3A_65 = arith.index_cast %get3A_64 : i32 to index
      %get3A_66 = arith.index_cast %mul3A_63 : i32 to index
      %get3A_67 = tpu.vector_load %arg9[%get3A_65, %get3A_66] {strides = array<i32>} : memref<16x640xf32, #tpu.memory_space<vmem>>, vector<16xf32>,
      %add3A_68 = arith.addf %add3A_61, %get3A_67 : vector<16xf32>
      %mul3A_69 = arith.constant 16 : i32
      %mul3A_70 = arith.muli %scan3A_34, %mul3A_69 : i32
      %get3A_71 = arith.constant 5 : i32
      %get3A_72 = arith.index_cast %get3A_71 : i32 to index
      %get3A_73 = arith.index_cast %mul3A_70 : i32 to index
      %get3A_74 = tpu.vector_load %arg9[%get3A_72, %get3A_73] {strides = array<i32>} : memref<16x640xf32, #tpu.memory_space<vmem>>, vector<16xf32>,
      %add3A_75 = arith.addf %add3A_68, %get3A_74 : vector<16xf32>
      %mul3A_76 = arith.constant 16 : i32
      %mul3A_77 = arith.muli %scan3A_34, %mul3A_76 : i32
      %get3A_78 = arith.constant 6 : i32
      %get3A_79 = arith.index_cast %get3A_78 : i32 to index
      %get3A_80 = arith.index_cast %mul3A_77 : i32 to index
      %get3A_81 = tpu.vector_load %arg9[%get3A_79, %get3A_80] {strides = array<i32>} : memref<16x640xf32, #tpu.memory_space<vmem>>, vector<16xf32>,
      %add3A_82 = arith.addf %add3A_75, %get3A_81 : vector<16xf32>
      %mul3A_83 = arith.constant 16 : i32
      %mul3A_84 = arith.muli %scan3A_34, %mul3A_83 : i32
      %get3A_85 = arith.constant 7 : i32
      %get3A_86 = arith.index_cast %get3A_85 : i32 to index
      %get3A_87 = arith.index_cast %mul3A_84 : i32 to index
      %get3A_88 = tpu.vector_load %arg9[%get3A_86, %get3A_87] {strides = array<i32>} : memref<16x640xf32, #tpu.memory_space<vmem>>, vector<16xf32>,
      %add3A_89 = arith.addf %add3A_82, %get3A_88 : vector<16xf32>
      %mul3A_90 = arith.constant 16 : i32
      %mul3A_91 = arith.muli %scan3A_34, %mul3A_90 : i32
      %get3A_92 = arith.constant 8 : i32
      %get3A_93 = arith.index_cast %get3A_92 : i32 to index
      %get3A_94 = arith.index_cast %mul3A_91 : i32 to index
      %get3A_95 = tpu.vector_load %arg9[%get3A_93, %get3A_94] {strides = array<i32>} : memref<16x640xf32, #tpu.memory_space<vmem>>, vector<16xf32>,
      %add3A_96 = arith.addf %add3A_89, %get3A_95 : vector<16xf32>
      %mul3A_97 = arith.constant 16 : i32
      %mul3A_98 = arith.muli %scan3A_34, %mul3A_97 : i32
      %get3A_99 = arith.constant 9 : i32
      %get3A_100 = arith.index_cast %get3A_99 : i32 to index
      %get3A_101 = arith.index_cast %mul3A_98 : i32 to index
      %get3A_102 = tpu.vector_load %arg9[%get3A_100, %get3A_101] {strides = array<i32>} : memref<16x640xf32, #tpu.memory_space<vmem>>, vector<16xf32>,
      %add3A_103 = arith.addf %add3A_96, %get3A_102 : vector<16xf32>
      %mul3A_104 = arith.constant 16 : i32
      %mul3A_105 = arith.muli %scan3A_34, %mul3A_104 : i32
      %get3A_106 = arith.constant 10 : i32
      %get3A_107 = arith.index_cast %get3A_106 : i32 to index
      %get3A_108 = arith.index_cast %mul3A_105 : i32 to index
      %get3A_109 = tpu.vector_load %arg9[%get3A_107, %get3A_108] {strides = array<i32>} : memref<16x640xf32, #tpu.memory_space<vmem>>, vector<16xf32>,
      %add3A_110 = arith.addf %add3A_103, %get3A_109 : vector<16xf32>
      %mul3A_111 = arith.constant 16 : i32
      %mul3A_112 = arith.muli %scan3A_34, %mul3A_111 : i32
      %get3A_113 = arith.constant 11 : i32
      %get3A_114 = arith.index_cast %get3A_113 : i32 to index
      %get3A_115 = arith.index_cast %mul3A_112 : i32 to index
      %get3A_116 = tpu.vector_load %arg9[%get3A_114, %get3A_115] {strides = array<i32>} : memref<16x640xf32, #tpu.memory_space<vmem>>, vector<16xf32>,
      %add3A_117 = arith.addf %add3A_110, %get3A_116 : vector<16xf32>
      %mul3A_118 = arith.constant 16 : i32
      %mul3A_119 = arith.muli %scan3A_34, %mul3A_118 : i32
      %get3A_120 = arith.constant 12 : i32
      %get3A_121 = arith.index_cast %get3A_120 : i32 to index
      %get3A_122 = arith.index_cast %mul3A_119 : i32 to index
      %get3A_123 = tpu.vector_load %arg9[%get3A_121, %get3A_122] {strides = array<i32>} : memref<16x640xf32, #tpu.memory_space<vmem>>, vector<16xf32>,
      %add3A_124 = arith.addf %add3A_117, %get3A_123 : vector<16xf32>
      %mul3A_125 = arith.constant 16 : i32
      %mul3A_126 = arith.muli %scan3A_34, %mul3A_125 : i32
      %get3A_127 = arith.constant 13 : i32
      %get3A_128 = arith.index_cast %get3A_127 : i32 to index
      %get3A_129 = arith.index_cast %mul3A_126 : i32 to index
      %get3A_130 = tpu.vector_load %arg9[%get3A_128, %get3A_129] {strides = array<i32>} : memref<16x640xf32, #tpu.memory_space<vmem>>, vector<16xf32>,
      %add3A_131 = arith.addf %add3A_124, %get3A_130 : vector<16xf32>
      %mul3A_132 = arith.constant 16 : i32
      %mul3A_133 = arith.muli %scan3A_34, %mul3A_132 : i32
      %get3A_134 = arith.constant 14 : i32
      %get3A_135 = arith.index_cast %get3A_134 : i32 to index
      %get3A_136 = arith.index_cast %mul3A_133 : i32 to index
      %get3A_137 = tpu.vector_load %arg9[%get3A_135, %get3A_136] {strides = array<i32>} : memref<16x640xf32, #tpu.memory_space<vmem>>, vector<16xf32>,
      %add3A_138 = arith.addf %add3A_131, %get3A_137 : vector<16xf32>
      %mul3A_139 = arith.constant 16 : i32
      %mul3A_140 = arith.muli %scan3A_34, %mul3A_139 : i32
      %get3A_141 = arith.constant 15 : i32
      %get3A_142 = arith.index_cast %get3A_141 : i32 to index
      %get3A_143 = arith.index_cast %mul3A_140 : i32 to index
      %get3A_144 = tpu.vector_load %arg9[%get3A_142, %get3A_143] {strides = array<i32>} : memref<16x640xf32, #tpu.memory_space<vmem>>, vector<16xf32>,
      %add3A_145 = arith.addf %add3A_138, %get3A_144 : vector<16xf32>
      %mul3A_146 = arith.constant 16 : i32
      %mul3A_147 = arith.muli %scan3A_34, %mul3A_146 : i32
      %swap3A = arith.index_cast %mul3A_147 : i32 to index
      %swap3A_148 = tpu.vector_load %arg10[%swap3A] {strides = array<i32>} : memref<640xf32, #tpu.memory_space<vmem>>, vector<16xf32>,
      tpu.vector_store %arg10[%swap3A], %add3A_145 {strides = array<i32>} : memref<640xf32, #tpu.memory_space<vmem>>, vector<16xf32>,
      %scan3A_149 = arith.constant 0 : i32
      scf.yield %scan3A_149 : i32
    }
    %scan3A_31 = arith.constant 40 : i32
    %mul3A_32 = arith.constant 640 : i32
    %mul3A_33 = arith.muli %arg1, %mul3A_32 : i32
    "tpu.region"() ({
      %run_scoped3A = tpu.sem_alloc : memref<!tpu.dma_semaphore, #tpu.memory_space<semaphore_mem>>
      %dma_start3A_34 = tpu.memref_slice %arg5[%arg0, %mul3A_33] : memref<2x10240xf32, #tpu.memory_space<hbm>> -> memref<1x640xf32, #tpu.memory_space<hbm>>
      %dma_start3A_35 = tpu.memref_squeeze %dma_start3A_34 : memref<1x640xf32, #tpu.memory_space<hbm>> -> memref<640xf32, #tpu.memory_space<hbm>>
      %dma_start3A_36 = tpu.memref_slice %arg5[%arg0, %mul3A_33] : memref<2x10240xf32, #tpu.memory_space<hbm>> -> memref<1x640xf32, #tpu.memory_space<hbm>>
      %dma_start3A_37 = tpu.memref_squeeze %dma_start3A_36 : memref<1x640xf32, #tpu.memory_space<hbm>> -> memref<640xf32, #tpu.memory_space<hbm>>
      tpu.enqueue_dma source(%arg10 : memref<640xf32, #tpu.memory_space<vmem>>) target(%dma_start3A_37 : memref<640xf32, #tpu.memory_space<hbm>>) target_semaphore(%run_scoped3A : memref<!tpu.dma_semaphore, #tpu.memory_space<semaphore_mem>>)
      %dma_wait3A_38 = tpu.memref_slice %arg5[%arg0, %mul3A_33] : memref<2x10240xf32, #tpu.memory_space<hbm>> -> memref<1x640xf32, #tpu.memory_space<hbm>>
      %dma_wait3A_39 = tpu.memref_squeeze %dma_wait3A_38 : memref<1x640xf32, #tpu.memory_space<hbm>> -> memref<640xf32, #tpu.memory_space<hbm>>
      %dma_wait3A_40 = tpu.memref_slice %arg5[%arg0, %mul3A_33] : memref<2x10240xf32, #tpu.memory_space<hbm>> -> memref<1x640xf32, #tpu.memory_space<hbm>>
      %dma_wait3A_41 = tpu.memref_squeeze %dma_wait3A_40 : memref<1x640xf32, #tpu.memory_space<hbm>> -> memref<640xf32, #tpu.memory_space<hbm>>
      tpu.wait_dma2 semaphore(%run_scoped3A : memref<!tpu.dma_semaphore, #tpu.memory_space<semaphore_mem>>) src(%arg10 : memref<640xf32, #tpu.memory_space<vmem>>) dst(%dma_wait3A_41 : memref<640xf32, #tpu.memory_space<hbm>>)
      tpu.yield
    }) : () -> ()
    return
  }
}

#map = affine_map<(d0, d1) -> (0, 0, 0)>
#map1 = affine_map<(d0, d1) -> (0, 0)>
module attributes {stable_mosaic.version = 14 : i64} {
  func.func @_edge_scatter_kernel(%arg0: i32, %arg1: i32, %arg2: memref<32x79x128xi32, #tpu.memory_space<hbm>>, %arg3: memref<32x79x128xi32, #tpu.memory_space<hbm>>, %arg4: memref<10240x128xf32, #tpu.memory_space<hbm>>, %arg5: memref<128x128xf32, #tpu.memory_space<hbm>>, %arg6: memref<2x10240x128xf32, #tpu.memory_space<hbm>>, %arg7: memref<79x128xi32, #tpu.memory_space<vmem>>, %arg8: memref<79x128xi32, #tpu.memory_space<vmem>>, %arg9: memref<128x128xf32, #tpu.memory_space<vmem>>, %arg10: memref<10240x128xf32, #tpu.memory_space<vmem_shared>>, %arg11: memref<!tpu.dma_semaphore, #tpu.memory_space<semaphore_mem>>) attributes {dimension_semantics = [#tpu.dimension_semantics<core_parallel>, #tpu.dimension_semantics<subcore_parallel>], iteration_bounds = array<i64: 2, 16>, scalar_prefetch = 0 : i64, scratch_operands = 5 : i64, tpu.core_type = #tpu.core_type<sc_vector_subcore>, window_params = [{transform_indices = #map}, {transform_indices = #map}, {transform_indices = #map1}, {transform_indices = #map1}, {transform_indices = #map}]} {
    %mul3A = arith.constant 16 : i32
    %mul3A_0 = arith.muli %arg0, %mul3A : i32
    %add3A = arith.addi %mul3A_0, %arg1 : i32
    %broadcast_in_dim3A = arith.constant 0.000000e+00 : f32
    %broadcast_in_dim3A_1 = vector.broadcast %broadcast_in_dim3A : f32 to vector<16xf32>
    %scan3A = arith.constant 0 : i32
    %scan3A_2 = arith.constant 0 : i32
    %scan3A_3 = arith.constant 128 : i32
    %scan3A_4 = arith.addi %scan3A_2, %scan3A_3 : i32
    %scan3A_5 = arith.constant 1 : i32
    %scan3A_6 = scf.for %scan3A_40 = %scan3A_2 to %scan3A_4 step %scan3A_5 iter_args(%scan3A_41 = %scan3A) -> (i32)  : i32 {
      %swap3A = arith.index_cast %scan3A_40 : i32 to index
      %swap3A_42 = arith.constant 0 : index
      %swap3A_43 = tpu.vector_load %arg9[%swap3A, %swap3A_42] {strides = array<i32>} : memref<128x128xf32, #tpu.memory_space<vmem>>, vector<1x16xf32>,
      %swap3A_44 = vector.shape_cast %swap3A_43 : vector<1x16xf32> to vector<16xf32>
      %swap3A_45 = vector.shape_cast %broadcast_in_dim3A_1 : vector<16xf32> to vector<1x16xf32>
      tpu.vector_store %arg9[%swap3A, %swap3A_42], %swap3A_45 {strides = array<i32>} : memref<128x128xf32, #tpu.memory_space<vmem>>, vector<1x16xf32>,
      %swap3A_46 = arith.index_cast %scan3A_40 : i32 to index
      %swap3A_47 = arith.constant 16 : index
      %swap3A_48 = tpu.vector_load %arg9[%swap3A_46, %swap3A_47] {strides = array<i32>} : memref<128x128xf32, #tpu.memory_space<vmem>>, vector<1x16xf32>,
      %swap3A_49 = vector.shape_cast %swap3A_48 : vector<1x16xf32> to vector<16xf32>
      %swap3A_50 = vector.shape_cast %broadcast_in_dim3A_1 : vector<16xf32> to vector<1x16xf32>
      tpu.vector_store %arg9[%swap3A_46, %swap3A_47], %swap3A_50 {strides = array<i32>} : memref<128x128xf32, #tpu.memory_space<vmem>>, vector<1x16xf32>,
      %swap3A_51 = arith.index_cast %scan3A_40 : i32 to index
      %swap3A_52 = arith.constant 32 : index
      %swap3A_53 = tpu.vector_load %arg9[%swap3A_51, %swap3A_52] {strides = array<i32>} : memref<128x128xf32, #tpu.memory_space<vmem>>, vector<1x16xf32>,
      %swap3A_54 = vector.shape_cast %swap3A_53 : vector<1x16xf32> to vector<16xf32>
      %swap3A_55 = vector.shape_cast %broadcast_in_dim3A_1 : vector<16xf32> to vector<1x16xf32>
      tpu.vector_store %arg9[%swap3A_51, %swap3A_52], %swap3A_55 {strides = array<i32>} : memref<128x128xf32, #tpu.memory_space<vmem>>, vector<1x16xf32>,
      %swap3A_56 = arith.index_cast %scan3A_40 : i32 to index
      %swap3A_57 = arith.constant 48 : index
      %swap3A_58 = tpu.vector_load %arg9[%swap3A_56, %swap3A_57] {strides = array<i32>} : memref<128x128xf32, #tpu.memory_space<vmem>>, vector<1x16xf32>,
      %swap3A_59 = vector.shape_cast %swap3A_58 : vector<1x16xf32> to vector<16xf32>
      %swap3A_60 = vector.shape_cast %broadcast_in_dim3A_1 : vector<16xf32> to vector<1x16xf32>
      tpu.vector_store %arg9[%swap3A_56, %swap3A_57], %swap3A_60 {strides = array<i32>} : memref<128x128xf32, #tpu.memory_space<vmem>>, vector<1x16xf32>,
      %swap3A_61 = arith.index_cast %scan3A_40 : i32 to index
      %swap3A_62 = arith.constant 64 : index
      %swap3A_63 = tpu.vector_load %arg9[%swap3A_61, %swap3A_62] {strides = array<i32>} : memref<128x128xf32, #tpu.memory_space<vmem>>, vector<1x16xf32>,
      %swap3A_64 = vector.shape_cast %swap3A_63 : vector<1x16xf32> to vector<16xf32>
      %swap3A_65 = vector.shape_cast %broadcast_in_dim3A_1 : vector<16xf32> to vector<1x16xf32>
      tpu.vector_store %arg9[%swap3A_61, %swap3A_62], %swap3A_65 {strides = array<i32>} : memref<128x128xf32, #tpu.memory_space<vmem>>, vector<1x16xf32>,
      %swap3A_66 = arith.index_cast %scan3A_40 : i32 to index
      %swap3A_67 = arith.constant 80 : index
      %swap3A_68 = tpu.vector_load %arg9[%swap3A_66, %swap3A_67] {strides = array<i32>} : memref<128x128xf32, #tpu.memory_space<vmem>>, vector<1x16xf32>,
      %swap3A_69 = vector.shape_cast %swap3A_68 : vector<1x16xf32> to vector<16xf32>
      %swap3A_70 = vector.shape_cast %broadcast_in_dim3A_1 : vector<16xf32> to vector<1x16xf32>
      tpu.vector_store %arg9[%swap3A_66, %swap3A_67], %swap3A_70 {strides = array<i32>} : memref<128x128xf32, #tpu.memory_space<vmem>>, vector<1x16xf32>,
      %swap3A_71 = arith.index_cast %scan3A_40 : i32 to index
      %swap3A_72 = arith.constant 96 : index
      %swap3A_73 = tpu.vector_load %arg9[%swap3A_71, %swap3A_72] {strides = array<i32>} : memref<128x128xf32, #tpu.memory_space<vmem>>, vector<1x16xf32>,
      %swap3A_74 = vector.shape_cast %swap3A_73 : vector<1x16xf32> to vector<16xf32>
      %swap3A_75 = vector.shape_cast %broadcast_in_dim3A_1 : vector<16xf32> to vector<1x16xf32>
      tpu.vector_store %arg9[%swap3A_71, %swap3A_72], %swap3A_75 {strides = array<i32>} : memref<128x128xf32, #tpu.memory_space<vmem>>, vector<1x16xf32>,
      %swap3A_76 = arith.index_cast %scan3A_40 : i32 to index
      %swap3A_77 = arith.constant 112 : index
      %swap3A_78 = tpu.vector_load %arg9[%swap3A_76, %swap3A_77] {strides = array<i32>} : memref<128x128xf32, #tpu.memory_space<vmem>>, vector<1x16xf32>,
      %swap3A_79 = vector.shape_cast %swap3A_78 : vector<1x16xf32> to vector<16xf32>
      %swap3A_80 = vector.shape_cast %broadcast_in_dim3A_1 : vector<16xf32> to vector<1x16xf32>
      tpu.vector_store %arg9[%swap3A_76, %swap3A_77], %swap3A_80 {strides = array<i32>} : memref<128x128xf32, #tpu.memory_space<vmem>>, vector<1x16xf32>,
      %scan3A_81 = arith.constant 0 : i32
      scf.yield %scan3A_81 : i32
    }
    %scan3A_7 = arith.constant 128 : i32
    %mul3A_8 = arith.constant 640 : i32
    %mul3A_9 = arith.muli %arg1, %mul3A_8 : i32
    %add3A_10 = arith.constant 0 : i32
    %add3A_11 = arith.addi %mul3A_9, %add3A_10 : i32
    "tpu.region"() ({
      %run_scoped3A = tpu.sem_alloc : memref<!tpu.dma_semaphore, #tpu.memory_space<semaphore_mem>>
      %dma_start3A = arith.constant 0 : i32
      %dma_start3A_40 = tpu.memref_slice %arg10[%add3A_11, %dma_start3A] : memref<10240x128xf32, #tpu.memory_space<vmem_shared>> -> memref<128x128xf32, #tpu.memory_space<vmem_shared>>
      %dma_start3A_41 = arith.constant 0 : i32
      %dma_start3A_42 = tpu.memref_slice %arg10[%add3A_11, %dma_start3A_41] : memref<10240x128xf32, #tpu.memory_space<vmem_shared>> -> memref<128x128xf32, #tpu.memory_space<vmem_shared>>
      tpu.enqueue_dma source(%arg9 : memref<128x128xf32, #tpu.memory_space<vmem>>) target(%dma_start3A_42 : memref<128x128xf32, #tpu.memory_space<vmem_shared>>) target_semaphore(%run_scoped3A : memref<!tpu.dma_semaphore, #tpu.memory_space<semaphore_mem>>)
      %dma_wait3A = arith.constant 0 : i32
      %dma_wait3A_43 = tpu.memref_slice %arg10[%add3A_11, %dma_wait3A] : memref<10240x128xf32, #tpu.memory_space<vmem_shared>> -> memref<128x128xf32, #tpu.memory_space<vmem_shared>>
      %dma_wait3A_44 = arith.constant 0 : i32
      %dma_wait3A_45 = tpu.memref_slice %arg10[%add3A_11, %dma_wait3A_44] : memref<10240x128xf32, #tpu.memory_space<vmem_shared>> -> memref<128x128xf32, #tpu.memory_space<vmem_shared>>
      tpu.wait_dma2 semaphore(%run_scoped3A : memref<!tpu.dma_semaphore, #tpu.memory_space<semaphore_mem>>) src(%arg9 : memref<128x128xf32, #tpu.memory_space<vmem>>) dst(%dma_wait3A_45 : memref<128x128xf32, #tpu.memory_space<vmem_shared>>)
      tpu.yield
    }) : () -> ()
    %mul3A_12 = arith.constant 640 : i32
    %mul3A_13 = arith.muli %arg1, %mul3A_12 : i32
    %add3A_14 = arith.constant 128 : i32
    %add3A_15 = arith.addi %mul3A_13, %add3A_14 : i32
    "tpu.region"() ({
      %run_scoped3A = tpu.sem_alloc : memref<!tpu.dma_semaphore, #tpu.memory_space<semaphore_mem>>
      %dma_start3A = arith.constant 0 : i32
      %dma_start3A_40 = tpu.memref_slice %arg10[%add3A_15, %dma_start3A] : memref<10240x128xf32, #tpu.memory_space<vmem_shared>> -> memref<128x128xf32, #tpu.memory_space<vmem_shared>>
      %dma_start3A_41 = arith.constant 0 : i32
      %dma_start3A_42 = tpu.memref_slice %arg10[%add3A_15, %dma_start3A_41] : memref<10240x128xf32, #tpu.memory_space<vmem_shared>> -> memref<128x128xf32, #tpu.memory_space<vmem_shared>>
      tpu.enqueue_dma source(%arg9 : memref<128x128xf32, #tpu.memory_space<vmem>>) target(%dma_start3A_42 : memref<128x128xf32, #tpu.memory_space<vmem_shared>>) target_semaphore(%run_scoped3A : memref<!tpu.dma_semaphore, #tpu.memory_space<semaphore_mem>>)
      %dma_wait3A = arith.constant 0 : i32
      %dma_wait3A_43 = tpu.memref_slice %arg10[%add3A_15, %dma_wait3A] : memref<10240x128xf32, #tpu.memory_space<vmem_shared>> -> memref<128x128xf32, #tpu.memory_space<vmem_shared>>
      %dma_wait3A_44 = arith.constant 0 : i32
      %dma_wait3A_45 = tpu.memref_slice %arg10[%add3A_15, %dma_wait3A_44] : memref<10240x128xf32, #tpu.memory_space<vmem_shared>> -> memref<128x128xf32, #tpu.memory_space<vmem_shared>>
      tpu.wait_dma2 semaphore(%run_scoped3A : memref<!tpu.dma_semaphore, #tpu.memory_space<semaphore_mem>>) src(%arg9 : memref<128x128xf32, #tpu.memory_space<vmem>>) dst(%dma_wait3A_45 : memref<128x128xf32, #tpu.memory_space<vmem_shared>>)
      tpu.yield
    }) : () -> ()
    %mul3A_16 = arith.constant 640 : i32
    %mul3A_17 = arith.muli %arg1, %mul3A_16 : i32
    %add3A_18 = arith.constant 256 : i32
    %add3A_19 = arith.addi %mul3A_17, %add3A_18 : i32
    "tpu.region"() ({
      %run_scoped3A = tpu.sem_alloc : memref<!tpu.dma_semaphore, #tpu.memory_space<semaphore_mem>>
      %dma_start3A = arith.constant 0 : i32
      %dma_start3A_40 = tpu.memref_slice %arg10[%add3A_19, %dma_start3A] : memref<10240x128xf32, #tpu.memory_space<vmem_shared>> -> memref<128x128xf32, #tpu.memory_space<vmem_shared>>
      %dma_start3A_41 = arith.constant 0 : i32
      %dma_start3A_42 = tpu.memref_slice %arg10[%add3A_19, %dma_start3A_41] : memref<10240x128xf32, #tpu.memory_space<vmem_shared>> -> memref<128x128xf32, #tpu.memory_space<vmem_shared>>
      tpu.enqueue_dma source(%arg9 : memref<128x128xf32, #tpu.memory_space<vmem>>) target(%dma_start3A_42 : memref<128x128xf32, #tpu.memory_space<vmem_shared>>) target_semaphore(%run_scoped3A : memref<!tpu.dma_semaphore, #tpu.memory_space<semaphore_mem>>)
      %dma_wait3A = arith.constant 0 : i32
      %dma_wait3A_43 = tpu.memref_slice %arg10[%add3A_19, %dma_wait3A] : memref<10240x128xf32, #tpu.memory_space<vmem_shared>> -> memref<128x128xf32, #tpu.memory_space<vmem_shared>>
      %dma_wait3A_44 = arith.constant 0 : i32
      %dma_wait3A_45 = tpu.memref_slice %arg10[%add3A_19, %dma_wait3A_44] : memref<10240x128xf32, #tpu.memory_space<vmem_shared>> -> memref<128x128xf32, #tpu.memory_space<vmem_shared>>
      tpu.wait_dma2 semaphore(%run_scoped3A : memref<!tpu.dma_semaphore, #tpu.memory_space<semaphore_mem>>) src(%arg9 : memref<128x128xf32, #tpu.memory_space<vmem>>) dst(%dma_wait3A_45 : memref<128x128xf32, #tpu.memory_space<vmem_shared>>)
      tpu.yield
    }) : () -> ()
    %mul3A_20 = arith.constant 640 : i32
    %mul3A_21 = arith.muli %arg1, %mul3A_20 : i32
    %add3A_22 = arith.constant 384 : i32
    %add3A_23 = arith.addi %mul3A_21, %add3A_22 : i32
    "tpu.region"() ({
      %run_scoped3A = tpu.sem_alloc : memref<!tpu.dma_semaphore, #tpu.memory_space<semaphore_mem>>
      %dma_start3A = arith.constant 0 : i32
      %dma_start3A_40 = tpu.memref_slice %arg10[%add3A_23, %dma_start3A] : memref<10240x128xf32, #tpu.memory_space<vmem_shared>> -> memref<128x128xf32, #tpu.memory_space<vmem_shared>>
      %dma_start3A_41 = arith.constant 0 : i32
      %dma_start3A_42 = tpu.memref_slice %arg10[%add3A_23, %dma_start3A_41] : memref<10240x128xf32, #tpu.memory_space<vmem_shared>> -> memref<128x128xf32, #tpu.memory_space<vmem_shared>>
      tpu.enqueue_dma source(%arg9 : memref<128x128xf32, #tpu.memory_space<vmem>>) target(%dma_start3A_42 : memref<128x128xf32, #tpu.memory_space<vmem_shared>>) target_semaphore(%run_scoped3A : memref<!tpu.dma_semaphore, #tpu.memory_space<semaphore_mem>>)
      %dma_wait3A = arith.constant 0 : i32
      %dma_wait3A_43 = tpu.memref_slice %arg10[%add3A_23, %dma_wait3A] : memref<10240x128xf32, #tpu.memory_space<vmem_shared>> -> memref<128x128xf32, #tpu.memory_space<vmem_shared>>
      %dma_wait3A_44 = arith.constant 0 : i32
      %dma_wait3A_45 = tpu.memref_slice %arg10[%add3A_23, %dma_wait3A_44] : memref<10240x128xf32, #tpu.memory_space<vmem_shared>> -> memref<128x128xf32, #tpu.memory_space<vmem_shared>>
      tpu.wait_dma2 semaphore(%run_scoped3A : memref<!tpu.dma_semaphore, #tpu.memory_space<semaphore_mem>>) src(%arg9 : memref<128x128xf32, #tpu.memory_space<vmem>>) dst(%dma_wait3A_45 : memref<128x128xf32, #tpu.memory_space<vmem_shared>>)
      tpu.yield
    }) : () -> ()
    %mul3A_24 = arith.constant 640 : i32
    %mul3A_25 = arith.muli %arg1, %mul3A_24 : i32
    %add3A_26 = arith.constant 512 : i32
    %add3A_27 = arith.addi %mul3A_25, %add3A_26 : i32
    "tpu.region"() ({
      %run_scoped3A = tpu.sem_alloc : memref<!tpu.dma_semaphore, #tpu.memory_space<semaphore_mem>>
      %dma_start3A = arith.constant 0 : i32
      %dma_start3A_40 = tpu.memref_slice %arg10[%add3A_27, %dma_start3A] : memref<10240x128xf32, #tpu.memory_space<vmem_shared>> -> memref<128x128xf32, #tpu.memory_space<vmem_shared>>
      %dma_start3A_41 = arith.constant 0 : i32
      %dma_start3A_42 = tpu.memref_slice %arg10[%add3A_27, %dma_start3A_41] : memref<10240x128xf32, #tpu.memory_space<vmem_shared>> -> memref<128x128xf32, #tpu.memory_space<vmem_shared>>
      tpu.enqueue_dma source(%arg9 : memref<128x128xf32, #tpu.memory_space<vmem>>) target(%dma_start3A_42 : memref<128x128xf32, #tpu.memory_space<vmem_shared>>) target_semaphore(%run_scoped3A : memref<!tpu.dma_semaphore, #tpu.memory_space<semaphore_mem>>)
      %dma_wait3A = arith.constant 0 : i32
      %dma_wait3A_43 = tpu.memref_slice %arg10[%add3A_27, %dma_wait3A] : memref<10240x128xf32, #tpu.memory_space<vmem_shared>> -> memref<128x128xf32, #tpu.memory_space<vmem_shared>>
      %dma_wait3A_44 = arith.constant 0 : i32
      %dma_wait3A_45 = tpu.memref_slice %arg10[%add3A_27, %dma_wait3A_44] : memref<10240x128xf32, #tpu.memory_space<vmem_shared>> -> memref<128x128xf32, #tpu.memory_space<vmem_shared>>
      tpu.wait_dma2 semaphore(%run_scoped3A : memref<!tpu.dma_semaphore, #tpu.memory_space<semaphore_mem>>) src(%arg9 : memref<128x128xf32, #tpu.memory_space<vmem>>) dst(%dma_wait3A_45 : memref<128x128xf32, #tpu.memory_space<vmem_shared>>)
      tpu.yield
    }) : () -> ()
    %barrier3A = arith.constant 0 : index
    tpu.barrier barrier_id(%barrier3A)
    "tpu.region"() ({
      %run_scoped3A = tpu.sem_alloc : memref<!tpu.dma_semaphore, #tpu.memory_space<semaphore_mem>>
      %dma_start3A = arith.constant 0 : i32
      %dma_start3A_40 = arith.constant 0 : i32
      %dma_start3A_41 = tpu.memref_slice %arg2[%add3A, %dma_start3A, %dma_start3A_40] : memref<32x79x128xi32, #tpu.memory_space<hbm>> -> memref<1x79x128xi32, #tpu.memory_space<hbm>>
      %dma_start3A_42 = tpu.memref_squeeze %dma_start3A_41 : memref<1x79x128xi32, #tpu.memory_space<hbm>> -> memref<79x128xi32, #tpu.memory_space<hbm>>
      %dma_start3A_43 = arith.constant 0 : i32
      %dma_start3A_44 = arith.constant 0 : i32
      %dma_start3A_45 = tpu.memref_slice %arg2[%add3A, %dma_start3A_43, %dma_start3A_44] : memref<32x79x128xi32, #tpu.memory_space<hbm>> -> memref<1x79x128xi32, #tpu.memory_space<hbm>>
      %dma_start3A_46 = tpu.memref_squeeze %dma_start3A_45 : memref<1x79x128xi32, #tpu.memory_space<hbm>> -> memref<79x128xi32, #tpu.memory_space<hbm>>
      tpu.enqueue_dma source(%dma_start3A_46 : memref<79x128xi32, #tpu.memory_space<hbm>>) target(%arg7 : memref<79x128xi32, #tpu.memory_space<vmem>>) target_semaphore(%run_scoped3A : memref<!tpu.dma_semaphore, #tpu.memory_space<semaphore_mem>>)
      %dma_wait3A = arith.constant 0 : i32
      %dma_wait3A_47 = arith.constant 0 : i32
      %dma_wait3A_48 = tpu.memref_slice %arg2[%add3A, %dma_wait3A, %dma_wait3A_47] : memref<32x79x128xi32, #tpu.memory_space<hbm>> -> memref<1x79x128xi32, #tpu.memory_space<hbm>>
      %dma_wait3A_49 = tpu.memref_squeeze %dma_wait3A_48 : memref<1x79x128xi32, #tpu.memory_space<hbm>> -> memref<79x128xi32, #tpu.memory_space<hbm>>
      %dma_wait3A_50 = arith.constant 0 : i32
      %dma_wait3A_51 = arith.constant 0 : i32
      %dma_wait3A_52 = tpu.memref_slice %arg2[%add3A, %dma_wait3A_50, %dma_wait3A_51] : memref<32x79x128xi32, #tpu.memory_space<hbm>> -> memref<1x79x128xi32, #tpu.memory_space<hbm>>
      %dma_wait3A_53 = tpu.memref_squeeze %dma_wait3A_52 : memref<1x79x128xi32, #tpu.memory_space<hbm>> -> memref<79x128xi32, #tpu.memory_space<hbm>>
      tpu.wait_dma2 semaphore(%run_scoped3A : memref<!tpu.dma_semaphore, #tpu.memory_space<semaphore_mem>>) src(%dma_wait3A_53 : memref<79x128xi32, #tpu.memory_space<hbm>>) dst(%arg7 : memref<79x128xi32, #tpu.memory_space<vmem>>)
      tpu.yield
    }) : () -> ()
    "tpu.region"() ({
      %run_scoped3A = tpu.sem_alloc : memref<!tpu.dma_semaphore, #tpu.memory_space<semaphore_mem>>
      %dma_start3A = arith.constant 0 : i32
      %dma_start3A_40 = arith.constant 0 : i32
      %dma_start3A_41 = tpu.memref_slice %arg3[%add3A, %dma_start3A, %dma_start3A_40] : memref<32x79x128xi32, #tpu.memory_space<hbm>> -> memref<1x79x128xi32, #tpu.memory_space<hbm>>
      %dma_start3A_42 = tpu.memref_squeeze %dma_start3A_41 : memref<1x79x128xi32, #tpu.memory_space<hbm>> -> memref<79x128xi32, #tpu.memory_space<hbm>>
      %dma_start3A_43 = arith.constant 0 : i32
      %dma_start3A_44 = arith.constant 0 : i32
      %dma_start3A_45 = tpu.memref_slice %arg3[%add3A, %dma_start3A_43, %dma_start3A_44] : memref<32x79x128xi32, #tpu.memory_space<hbm>> -> memref<1x79x128xi32, #tpu.memory_space<hbm>>
      %dma_start3A_46 = tpu.memref_squeeze %dma_start3A_45 : memref<1x79x128xi32, #tpu.memory_space<hbm>> -> memref<79x128xi32, #tpu.memory_space<hbm>>
      tpu.enqueue_dma source(%dma_start3A_46 : memref<79x128xi32, #tpu.memory_space<hbm>>) target(%arg8 : memref<79x128xi32, #tpu.memory_space<vmem>>) target_semaphore(%run_scoped3A : memref<!tpu.dma_semaphore, #tpu.memory_space<semaphore_mem>>)
      %dma_wait3A = arith.constant 0 : i32
      %dma_wait3A_47 = arith.constant 0 : i32
      %dma_wait3A_48 = tpu.memref_slice %arg3[%add3A, %dma_wait3A, %dma_wait3A_47] : memref<32x79x128xi32, #tpu.memory_space<hbm>> -> memref<1x79x128xi32, #tpu.memory_space<hbm>>
      %dma_wait3A_49 = tpu.memref_squeeze %dma_wait3A_48 : memref<1x79x128xi32, #tpu.memory_space<hbm>> -> memref<79x128xi32, #tpu.memory_space<hbm>>
      %dma_wait3A_50 = arith.constant 0 : i32
      %dma_wait3A_51 = arith.constant 0 : i32
      %dma_wait3A_52 = tpu.memref_slice %arg3[%add3A, %dma_wait3A_50, %dma_wait3A_51] : memref<32x79x128xi32, #tpu.memory_space<hbm>> -> memref<1x79x128xi32, #tpu.memory_space<hbm>>
      %dma_wait3A_53 = tpu.memref_squeeze %dma_wait3A_52 : memref<1x79x128xi32, #tpu.memory_space<hbm>> -> memref<79x128xi32, #tpu.memory_space<hbm>>
      tpu.wait_dma2 semaphore(%run_scoped3A : memref<!tpu.dma_semaphore, #tpu.memory_space<semaphore_mem>>) src(%dma_wait3A_53 : memref<79x128xi32, #tpu.memory_space<hbm>>) dst(%arg8 : memref<79x128xi32, #tpu.memory_space<vmem>>)
      tpu.yield
    }) : () -> ()
    %scan3A_28 = arith.constant 0 : i32
    %scan3A_29 = arith.constant 0 : i32
    %scan3A_30 = arith.constant 79 : i32
    %scan3A_31 = arith.addi %scan3A_29, %scan3A_30 : i32
    %scan3A_32 = arith.constant 1 : i32
    %scan3A_33 = scf.for %scan3A_40 = %scan3A_29 to %scan3A_31 step %scan3A_32 iter_args(%scan3A_41 = %scan3A_28) -> (i32)  : i32 {
      %dma_start3A = arith.constant 0 : i32
      %dma_start3A_42 = tpu.memref_slice %arg7[%scan3A_40, %dma_start3A] : memref<79x128xi32, #tpu.memory_space<vmem>> -> memref<1x128xi32, #tpu.memory_space<vmem>>
      %dma_start3A_43 = tpu.memref_squeeze %dma_start3A_42 : memref<1x128xi32, #tpu.memory_space<vmem>> -> memref<128xi32, #tpu.memory_space<vmem>>
      %dma_start3A_44 = arith.constant 0 : i32
      %dma_start3A_45 = arith.constant 0 : i32
      %dma_start3A_46 = tpu.memref_slice %arg4[%dma_start3A_44, %dma_start3A_45] : memref<10240x128xf32, #tpu.memory_space<hbm>> -> memref<10240x128xf32, #tpu.memory_space<hbm>>
      tpu.enqueue_indirect_dma source(%dma_start3A_46 : memref<10240x128xf32, #tpu.memory_space<hbm>>) target(%arg9 : memref<128x128xf32, #tpu.memory_space<vmem>>) offsets(%dma_start3A_43 : memref<128xi32, #tpu.memory_space<vmem>>) semaphore(%arg11 : memref<!tpu.dma_semaphore, #tpu.memory_space<semaphore_mem>>)
      %dma_wait3A = arith.constant 0 : i32
      %dma_wait3A_47 = tpu.memref_slice %arg7[%scan3A_40, %dma_wait3A] : memref<79x128xi32, #tpu.memory_space<vmem>> -> memref<1x128xi32, #tpu.memory_space<vmem>>
      %dma_wait3A_48 = tpu.memref_squeeze %dma_wait3A_47 : memref<1x128xi32, #tpu.memory_space<vmem>> -> memref<128xi32, #tpu.memory_space<vmem>>
      %dma_wait3A_49 = arith.constant 0 : i32
      %dma_wait3A_50 = arith.constant 0 : i32
      %dma_wait3A_51 = tpu.memref_slice %arg4[%dma_wait3A_49, %dma_wait3A_50] : memref<10240x128xf32, #tpu.memory_space<hbm>> -> memref<10240x128xf32, #tpu.memory_space<hbm>>
      tpu.wait_indirect_dma semaphore(%arg11 : memref<!tpu.dma_semaphore, #tpu.memory_space<semaphore_mem>>) src(%dma_wait3A_51 : memref<10240x128xf32, #tpu.memory_space<hbm>>) dst(%arg9 : memref<128x128xf32, #tpu.memory_space<vmem>>)
      "tpu.region"() ({
        %run_scoped3A = tpu.sem_alloc : memref<!tpu.dma_semaphore, #tpu.memory_space<semaphore_mem>>
        %dma_start3A_53 = arith.constant 0 : i32
        %dma_start3A_54 = tpu.memref_slice %arg8[%scan3A_40, %dma_start3A_53] : memref<79x128xi32, #tpu.memory_space<vmem>> -> memref<1x128xi32, #tpu.memory_space<vmem>>
        %dma_start3A_55 = tpu.memref_squeeze %dma_start3A_54 : memref<1x128xi32, #tpu.memory_space<vmem>> -> memref<128xi32, #tpu.memory_space<vmem>>
        %dma_start3A_56 = arith.constant 0 : i32
        %dma_start3A_57 = arith.constant 0 : i32
        %dma_start3A_58 = tpu.memref_slice %arg10[%dma_start3A_56, %dma_start3A_57] : memref<10240x128xf32, #tpu.memory_space<vmem_shared>> -> memref<10240x128xf32, #tpu.memory_space<vmem_shared>>
        tpu.enqueue_indirect_dma source(%arg9 : memref<128x128xf32, #tpu.memory_space<vmem>>) target(%dma_start3A_58 : memref<10240x128xf32, #tpu.memory_space<vmem_shared>>) offsets(%dma_start3A_55 : memref<128xi32, #tpu.memory_space<vmem>>) semaphore(%run_scoped3A : memref<!tpu.dma_semaphore, #tpu.memory_space<semaphore_mem>>) {add = true}
        %dma_wait3A_59 = arith.constant 0 : i32
        %dma_wait3A_60 = tpu.memref_slice %arg8[%scan3A_40, %dma_wait3A_59] : memref<79x128xi32, #tpu.memory_space<vmem>> -> memref<1x128xi32, #tpu.memory_space<vmem>>
        %dma_wait3A_61 = tpu.memref_squeeze %dma_wait3A_60 : memref<1x128xi32, #tpu.memory_space<vmem>> -> memref<128xi32, #tpu.memory_space<vmem>>
        %dma_wait3A_62 = arith.constant 0 : i32
        %dma_wait3A_63 = arith.constant 0 : i32
        %dma_wait3A_64 = tpu.memref_slice %arg10[%dma_wait3A_62, %dma_wait3A_63] : memref<10240x128xf32, #tpu.memory_space<vmem_shared>> -> memref<10240x128xf32, #tpu.memory_space<vmem_shared>>
        tpu.wait_indirect_dma semaphore(%run_scoped3A : memref<!tpu.dma_semaphore, #tpu.memory_space<semaphore_mem>>) src(%arg9 : memref<128x128xf32, #tpu.memory_space<vmem>>) dst(%dma_wait3A_64 : memref<10240x128xf32, #tpu.memory_space<vmem_shared>>)
        tpu.yield
      }) : () -> ()
      %scan3A_52 = arith.constant 0 : i32
      scf.yield %scan3A_52 : i32
    }
    %scan3A_34 = arith.constant 79 : i32
    %barrier3A_35 = arith.constant 0 : index
    tpu.barrier barrier_id(%barrier3A_35)
    %mul3A_36 = arith.constant 640 : i32
    %mul3A_37 = arith.muli %arg1, %mul3A_36 : i32
    %mul3A_38 = arith.constant 640 : i32
    %mul3A_39 = arith.muli %arg1, %mul3A_38 : i32
    "tpu.region"() ({
      %run_scoped3A = tpu.sem_alloc : memref<!tpu.dma_semaphore, #tpu.memory_space<semaphore_mem>>
      %dma_start3A = arith.constant 0 : i32
      %dma_start3A_40 = tpu.memref_slice %arg6[%arg0, %mul3A_39, %dma_start3A] : memref<2x10240x128xf32, #tpu.memory_space<hbm>> -> memref<1x640x128xf32, #tpu.memory_space<hbm>>
      %dma_start3A_41 = tpu.memref_squeeze %dma_start3A_40 : memref<1x640x128xf32, #tpu.memory_space<hbm>> -> memref<640x128xf32, #tpu.memory_space<hbm>>
      %dma_start3A_42 = arith.constant 0 : i32
      %dma_start3A_43 = tpu.memref_slice %arg10[%mul3A_37, %dma_start3A_42] : memref<10240x128xf32, #tpu.memory_space<vmem_shared>> -> memref<640x128xf32, #tpu.memory_space<vmem_shared>>
      tpu.enqueue_dma source(%dma_start3A_43 : memref<640x128xf32, #tpu.memory_space<vmem_shared>>) target(%dma_start3A_41 : memref<640x128xf32, #tpu.memory_space<hbm>>) target_semaphore(%run_scoped3A : memref<!tpu.dma_semaphore, #tpu.memory_space<semaphore_mem>>)
      %dma_wait3A = arith.constant 0 : i32
      %dma_wait3A_44 = tpu.memref_slice %arg6[%arg0, %mul3A_39, %dma_wait3A] : memref<2x10240x128xf32, #tpu.memory_space<hbm>> -> memref<1x640x128xf32, #tpu.memory_space<hbm>>
      %dma_wait3A_45 = tpu.memref_squeeze %dma_wait3A_44 : memref<1x640x128xf32, #tpu.memory_space<hbm>> -> memref<640x128xf32, #tpu.memory_space<hbm>>
      %dma_wait3A_46 = arith.constant 0 : i32
      %dma_wait3A_47 = tpu.memref_slice %arg10[%mul3A_37, %dma_wait3A_46] : memref<10240x128xf32, #tpu.memory_space<vmem_shared>> -> memref<640x128xf32, #tpu.memory_space<vmem_shared>>
      tpu.wait_dma2 semaphore(%run_scoped3A : memref<!tpu.dma_semaphore, #tpu.memory_space<semaphore_mem>>) src(%dma_wait3A_47 : memref<640x128xf32, #tpu.memory_space<vmem_shared>>) dst(%dma_wait3A_45 : memref<640x128xf32, #tpu.memory_space<hbm>>)
      tpu.yield
    }) : () -> ()
    return
  }
}

#map = affine_map<(d0, d1) -> (0, 0, 0)>
#map1 = affine_map<(d0, d1) -> (0, 0)>
module attributes {stable_mosaic.version = 14 : i64} {
  func.func @_edge_scatter_kernel(%arg0: i32, %arg1: i32, %arg2: memref<32x79x128xi32, #tpu.memory_space<hbm>>, %arg3: memref<32x79x128xi32, #tpu.memory_space<hbm>>, %arg4: memref<10240x128xf32, #tpu.memory_space<hbm>>, %arg5: memref<128x128xf32, #tpu.memory_space<hbm>>, %arg6: memref<2x10240x128xf32, #tpu.memory_space<hbm>>, %arg7: memref<79x128xi32, #tpu.memory_space<vmem>>, %arg8: memref<79x128xi32, #tpu.memory_space<vmem>>, %arg9: memref<128x128xf32, #tpu.memory_space<vmem>>, %arg10: memref<10240x128xf32, #tpu.memory_space<vmem_shared>>, %arg11: memref<!tpu.dma_semaphore, #tpu.memory_space<semaphore_mem>>) attributes {dimension_semantics = [#tpu.dimension_semantics<core_parallel>, #tpu.dimension_semantics<subcore_parallel>], iteration_bounds = array<i64: 2, 16>, scalar_prefetch = 0 : i64, scratch_operands = 5 : i64, tpu.core_type = #tpu.core_type<sc_vector_subcore>, window_params = [{transform_indices = #map}, {transform_indices = #map}, {transform_indices = #map1}, {transform_indices = #map1}, {transform_indices = #map}]} {
    %mul3A = arith.constant 16 : i32
    %mul3A_0 = arith.muli %arg0, %mul3A : i32
    %add3A = arith.addi %mul3A_0, %arg1 : i32
    %broadcast_in_dim3A = arith.constant 0.000000e+00 : f32
    %broadcast_in_dim3A_1 = vector.broadcast %broadcast_in_dim3A : f32 to vector<16xf32>
    %scan3A = arith.constant 0 : i32
    %scan3A_2 = arith.constant 0 : i32
    %scan3A_3 = arith.constant 128 : i32
    %scan3A_4 = arith.addi %scan3A_2, %scan3A_3 : i32
    %scan3A_5 = arith.constant 1 : i32
    %scan3A_6 = scf.for %scan3A_40 = %scan3A_2 to %scan3A_4 step %scan3A_5 iter_args(%scan3A_41 = %scan3A) -> (i32)  : i32 {
      %swap3A = arith.index_cast %scan3A_40 : i32 to index
      %swap3A_42 = arith.constant 0 : index
      %swap3A_43 = tpu.vector_load %arg9[%swap3A, %swap3A_42] {strides = array<i32>} : memref<128x128xf32, #tpu.memory_space<vmem>>, vector<1x16xf32>,
      %swap3A_44 = vector.shape_cast %swap3A_43 : vector<1x16xf32> to vector<16xf32>
      %swap3A_45 = vector.shape_cast %broadcast_in_dim3A_1 : vector<16xf32> to vector<1x16xf32>
      tpu.vector_store %arg9[%swap3A, %swap3A_42], %swap3A_45 {strides = array<i32>} : memref<128x128xf32, #tpu.memory_space<vmem>>, vector<1x16xf32>,
      %swap3A_46 = arith.index_cast %scan3A_40 : i32 to index
      %swap3A_47 = arith.constant 16 : index
      %swap3A_48 = tpu.vector_load %arg9[%swap3A_46, %swap3A_47] {strides = array<i32>} : memref<128x128xf32, #tpu.memory_space<vmem>>, vector<1x16xf32>,
      %swap3A_49 = vector.shape_cast %swap3A_48 : vector<1x16xf32> to vector<16xf32>
      %swap3A_50 = vector.shape_cast %broadcast_in_dim3A_1 : vector<16xf32> to vector<1x16xf32>
      tpu.vector_store %arg9[%swap3A_46, %swap3A_47], %swap3A_50 {strides = array<i32>} : memref<128x128xf32, #tpu.memory_space<vmem>>, vector<1x16xf32>,
      %swap3A_51 = arith.index_cast %scan3A_40 : i32 to index
      %swap3A_52 = arith.constant 32 : index
      %swap3A_53 = tpu.vector_load %arg9[%swap3A_51, %swap3A_52] {strides = array<i32>} : memref<128x128xf32, #tpu.memory_space<vmem>>, vector<1x16xf32>,
      %swap3A_54 = vector.shape_cast %swap3A_53 : vector<1x16xf32> to vector<16xf32>
      %swap3A_55 = vector.shape_cast %broadcast_in_dim3A_1 : vector<16xf32> to vector<1x16xf32>
      tpu.vector_store %arg9[%swap3A_51, %swap3A_52], %swap3A_55 {strides = array<i32>} : memref<128x128xf32, #tpu.memory_space<vmem>>, vector<1x16xf32>,
      %swap3A_56 = arith.index_cast %scan3A_40 : i32 to index
      %swap3A_57 = arith.constant 48 : index
      %swap3A_58 = tpu.vector_load %arg9[%swap3A_56, %swap3A_57] {strides = array<i32>} : memref<128x128xf32, #tpu.memory_space<vmem>>, vector<1x16xf32>,
      %swap3A_59 = vector.shape_cast %swap3A_58 : vector<1x16xf32> to vector<16xf32>
      %swap3A_60 = vector.shape_cast %broadcast_in_dim3A_1 : vector<16xf32> to vector<1x16xf32>
      tpu.vector_store %arg9[%swap3A_56, %swap3A_57], %swap3A_60 {strides = array<i32>} : memref<128x128xf32, #tpu.memory_space<vmem>>, vector<1x16xf32>,
      %swap3A_61 = arith.index_cast %scan3A_40 : i32 to index
      %swap3A_62 = arith.constant 64 : index
      %swap3A_63 = tpu.vector_load %arg9[%swap3A_61, %swap3A_62] {strides = array<i32>} : memref<128x128xf32, #tpu.memory_space<vmem>>, vector<1x16xf32>,
      %swap3A_64 = vector.shape_cast %swap3A_63 : vector<1x16xf32> to vector<16xf32>
      %swap3A_65 = vector.shape_cast %broadcast_in_dim3A_1 : vector<16xf32> to vector<1x16xf32>
      tpu.vector_store %arg9[%swap3A_61, %swap3A_62], %swap3A_65 {strides = array<i32>} : memref<128x128xf32, #tpu.memory_space<vmem>>, vector<1x16xf32>,
      %swap3A_66 = arith.index_cast %scan3A_40 : i32 to index
      %swap3A_67 = arith.constant 80 : index
      %swap3A_68 = tpu.vector_load %arg9[%swap3A_66, %swap3A_67] {strides = array<i32>} : memref<128x128xf32, #tpu.memory_space<vmem>>, vector<1x16xf32>,
      %swap3A_69 = vector.shape_cast %swap3A_68 : vector<1x16xf32> to vector<16xf32>
      %swap3A_70 = vector.shape_cast %broadcast_in_dim3A_1 : vector<16xf32> to vector<1x16xf32>
      tpu.vector_store %arg9[%swap3A_66, %swap3A_67], %swap3A_70 {strides = array<i32>} : memref<128x128xf32, #tpu.memory_space<vmem>>, vector<1x16xf32>,
      %swap3A_71 = arith.index_cast %scan3A_40 : i32 to index
      %swap3A_72 = arith.constant 96 : index
      %swap3A_73 = tpu.vector_load %arg9[%swap3A_71, %swap3A_72] {strides = array<i32>} : memref<128x128xf32, #tpu.memory_space<vmem>>, vector<1x16xf32>,
      %swap3A_74 = vector.shape_cast %swap3A_73 : vector<1x16xf32> to vector<16xf32>
      %swap3A_75 = vector.shape_cast %broadcast_in_dim3A_1 : vector<16xf32> to vector<1x16xf32>
      tpu.vector_store %arg9[%swap3A_71, %swap3A_72], %swap3A_75 {strides = array<i32>} : memref<128x128xf32, #tpu.memory_space<vmem>>, vector<1x16xf32>,
      %swap3A_76 = arith.index_cast %scan3A_40 : i32 to index
      %swap3A_77 = arith.constant 112 : index
      %swap3A_78 = tpu.vector_load %arg9[%swap3A_76, %swap3A_77] {strides = array<i32>} : memref<128x128xf32, #tpu.memory_space<vmem>>, vector<1x16xf32>,
      %swap3A_79 = vector.shape_cast %swap3A_78 : vector<1x16xf32> to vector<16xf32>
      %swap3A_80 = vector.shape_cast %broadcast_in_dim3A_1 : vector<16xf32> to vector<1x16xf32>
      tpu.vector_store %arg9[%swap3A_76, %swap3A_77], %swap3A_80 {strides = array<i32>} : memref<128x128xf32, #tpu.memory_space<vmem>>, vector<1x16xf32>,
      %scan3A_81 = arith.constant 0 : i32
      scf.yield %scan3A_81 : i32
    }
    %scan3A_7 = arith.constant 128 : i32
    %mul3A_8 = arith.constant 640 : i32
    %mul3A_9 = arith.muli %arg1, %mul3A_8 : i32
    %add3A_10 = arith.constant 0 : i32
    %add3A_11 = arith.addi %mul3A_9, %add3A_10 : i32
    "tpu.region"() ({
      %run_scoped3A = tpu.sem_alloc : memref<!tpu.dma_semaphore, #tpu.memory_space<semaphore_mem>>
      %dma_start3A = arith.constant 0 : i32
      %dma_start3A_40 = tpu.memref_slice %arg10[%add3A_11, %dma_start3A] : memref<10240x128xf32, #tpu.memory_space<vmem_shared>> -> memref<128x128xf32, #tpu.memory_space<vmem_shared>>
      %dma_start3A_41 = arith.constant 0 : i32
      %dma_start3A_42 = tpu.memref_slice %arg10[%add3A_11, %dma_start3A_41] : memref<10240x128xf32, #tpu.memory_space<vmem_shared>> -> memref<128x128xf32, #tpu.memory_space<vmem_shared>>
      tpu.enqueue_dma source(%arg9 : memref<128x128xf32, #tpu.memory_space<vmem>>) target(%dma_start3A_42 : memref<128x128xf32, #tpu.memory_space<vmem_shared>>) target_semaphore(%run_scoped3A : memref<!tpu.dma_semaphore, #tpu.memory_space<semaphore_mem>>)
      %dma_wait3A = arith.constant 0 : i32
      %dma_wait3A_43 = tpu.memref_slice %arg10[%add3A_11, %dma_wait3A] : memref<10240x128xf32, #tpu.memory_space<vmem_shared>> -> memref<128x128xf32, #tpu.memory_space<vmem_shared>>
      %dma_wait3A_44 = arith.constant 0 : i32
      %dma_wait3A_45 = tpu.memref_slice %arg10[%add3A_11, %dma_wait3A_44] : memref<10240x128xf32, #tpu.memory_space<vmem_shared>> -> memref<128x128xf32, #tpu.memory_space<vmem_shared>>
      tpu.wait_dma2 semaphore(%run_scoped3A : memref<!tpu.dma_semaphore, #tpu.memory_space<semaphore_mem>>) src(%arg9 : memref<128x128xf32, #tpu.memory_space<vmem>>) dst(%dma_wait3A_45 : memref<128x128xf32, #tpu.memory_space<vmem_shared>>)
      tpu.yield
    }) : () -> ()
    %mul3A_12 = arith.constant 640 : i32
    %mul3A_13 = arith.muli %arg1, %mul3A_12 : i32
    %add3A_14 = arith.constant 128 : i32
    %add3A_15 = arith.addi %mul3A_13, %add3A_14 : i32
    "tpu.region"() ({
      %run_scoped3A = tpu.sem_alloc : memref<!tpu.dma_semaphore, #tpu.memory_space<semaphore_mem>>
      %dma_start3A = arith.constant 0 : i32
      %dma_start3A_40 = tpu.memref_slice %arg10[%add3A_15, %dma_start3A] : memref<10240x128xf32, #tpu.memory_space<vmem_shared>> -> memref<128x128xf32, #tpu.memory_space<vmem_shared>>
      %dma_start3A_41 = arith.constant 0 : i32
      %dma_start3A_42 = tpu.memref_slice %arg10[%add3A_15, %dma_start3A_41] : memref<10240x128xf32, #tpu.memory_space<vmem_shared>> -> memref<128x128xf32, #tpu.memory_space<vmem_shared>>
      tpu.enqueue_dma source(%arg9 : memref<128x128xf32, #tpu.memory_space<vmem>>) target(%dma_start3A_42 : memref<128x128xf32, #tpu.memory_space<vmem_shared>>) target_semaphore(%run_scoped3A : memref<!tpu.dma_semaphore, #tpu.memory_space<semaphore_mem>>)
      %dma_wait3A = arith.constant 0 : i32
      %dma_wait3A_43 = tpu.memref_slice %arg10[%add3A_15, %dma_wait3A] : memref<10240x128xf32, #tpu.memory_space<vmem_shared>> -> memref<128x128xf32, #tpu.memory_space<vmem_shared>>
      %dma_wait3A_44 = arith.constant 0 : i32
      %dma_wait3A_45 = tpu.memref_slice %arg10[%add3A_15, %dma_wait3A_44] : memref<10240x128xf32, #tpu.memory_space<vmem_shared>> -> memref<128x128xf32, #tpu.memory_space<vmem_shared>>
      tpu.wait_dma2 semaphore(%run_scoped3A : memref<!tpu.dma_semaphore, #tpu.memory_space<semaphore_mem>>) src(%arg9 : memref<128x128xf32, #tpu.memory_space<vmem>>) dst(%dma_wait3A_45 : memref<128x128xf32, #tpu.memory_space<vmem_shared>>)
      tpu.yield
    }) : () -> ()
    %mul3A_16 = arith.constant 640 : i32
    %mul3A_17 = arith.muli %arg1, %mul3A_16 : i32
    %add3A_18 = arith.constant 256 : i32
    %add3A_19 = arith.addi %mul3A_17, %add3A_18 : i32
    "tpu.region"() ({
      %run_scoped3A = tpu.sem_alloc : memref<!tpu.dma_semaphore, #tpu.memory_space<semaphore_mem>>
      %dma_start3A = arith.constant 0 : i32
      %dma_start3A_40 = tpu.memref_slice %arg10[%add3A_19, %dma_start3A] : memref<10240x128xf32, #tpu.memory_space<vmem_shared>> -> memref<128x128xf32, #tpu.memory_space<vmem_shared>>
      %dma_start3A_41 = arith.constant 0 : i32
      %dma_start3A_42 = tpu.memref_slice %arg10[%add3A_19, %dma_start3A_41] : memref<10240x128xf32, #tpu.memory_space<vmem_shared>> -> memref<128x128xf32, #tpu.memory_space<vmem_shared>>
      tpu.enqueue_dma source(%arg9 : memref<128x128xf32, #tpu.memory_space<vmem>>) target(%dma_start3A_42 : memref<128x128xf32, #tpu.memory_space<vmem_shared>>) target_semaphore(%run_scoped3A : memref<!tpu.dma_semaphore, #tpu.memory_space<semaphore_mem>>)
      %dma_wait3A = arith.constant 0 : i32
      %dma_wait3A_43 = tpu.memref_slice %arg10[%add3A_19, %dma_wait3A] : memref<10240x128xf32, #tpu.memory_space<vmem_shared>> -> memref<128x128xf32, #tpu.memory_space<vmem_shared>>
      %dma_wait3A_44 = arith.constant 0 : i32
      %dma_wait3A_45 = tpu.memref_slice %arg10[%add3A_19, %dma_wait3A_44] : memref<10240x128xf32, #tpu.memory_space<vmem_shared>> -> memref<128x128xf32, #tpu.memory_space<vmem_shared>>
      tpu.wait_dma2 semaphore(%run_scoped3A : memref<!tpu.dma_semaphore, #tpu.memory_space<semaphore_mem>>) src(%arg9 : memref<128x128xf32, #tpu.memory_space<vmem>>) dst(%dma_wait3A_45 : memref<128x128xf32, #tpu.memory_space<vmem_shared>>)
      tpu.yield
    }) : () -> ()
    %mul3A_20 = arith.constant 640 : i32
    %mul3A_21 = arith.muli %arg1, %mul3A_20 : i32
    %add3A_22 = arith.constant 384 : i32
    %add3A_23 = arith.addi %mul3A_21, %add3A_22 : i32
    "tpu.region"() ({
      %run_scoped3A = tpu.sem_alloc : memref<!tpu.dma_semaphore, #tpu.memory_space<semaphore_mem>>
      %dma_start3A = arith.constant 0 : i32
      %dma_start3A_40 = tpu.memref_slice %arg10[%add3A_23, %dma_start3A] : memref<10240x128xf32, #tpu.memory_space<vmem_shared>> -> memref<128x128xf32, #tpu.memory_space<vmem_shared>>
      %dma_start3A_41 = arith.constant 0 : i32
      %dma_start3A_42 = tpu.memref_slice %arg10[%add3A_23, %dma_start3A_41] : memref<10240x128xf32, #tpu.memory_space<vmem_shared>> -> memref<128x128xf32, #tpu.memory_space<vmem_shared>>
      tpu.enqueue_dma source(%arg9 : memref<128x128xf32, #tpu.memory_space<vmem>>) target(%dma_start3A_42 : memref<128x128xf32, #tpu.memory_space<vmem_shared>>) target_semaphore(%run_scoped3A : memref<!tpu.dma_semaphore, #tpu.memory_space<semaphore_mem>>)
      %dma_wait3A = arith.constant 0 : i32
      %dma_wait3A_43 = tpu.memref_slice %arg10[%add3A_23, %dma_wait3A] : memref<10240x128xf32, #tpu.memory_space<vmem_shared>> -> memref<128x128xf32, #tpu.memory_space<vmem_shared>>
      %dma_wait3A_44 = arith.constant 0 : i32
      %dma_wait3A_45 = tpu.memref_slice %arg10[%add3A_23, %dma_wait3A_44] : memref<10240x128xf32, #tpu.memory_space<vmem_shared>> -> memref<128x128xf32, #tpu.memory_space<vmem_shared>>
      tpu.wait_dma2 semaphore(%run_scoped3A : memref<!tpu.dma_semaphore, #tpu.memory_space<semaphore_mem>>) src(%arg9 : memref<128x128xf32, #tpu.memory_space<vmem>>) dst(%dma_wait3A_45 : memref<128x128xf32, #tpu.memory_space<vmem_shared>>)
      tpu.yield
    }) : () -> ()
    %mul3A_24 = arith.constant 640 : i32
    %mul3A_25 = arith.muli %arg1, %mul3A_24 : i32
    %add3A_26 = arith.constant 512 : i32
    %add3A_27 = arith.addi %mul3A_25, %add3A_26 : i32
    "tpu.region"() ({
      %run_scoped3A = tpu.sem_alloc : memref<!tpu.dma_semaphore, #tpu.memory_space<semaphore_mem>>
      %dma_start3A = arith.constant 0 : i32
      %dma_start3A_40 = tpu.memref_slice %arg10[%add3A_27, %dma_start3A] : memref<10240x128xf32, #tpu.memory_space<vmem_shared>> -> memref<128x128xf32, #tpu.memory_space<vmem_shared>>
      %dma_start3A_41 = arith.constant 0 : i32
      %dma_start3A_42 = tpu.memref_slice %arg10[%add3A_27, %dma_start3A_41] : memref<10240x128xf32, #tpu.memory_space<vmem_shared>> -> memref<128x128xf32, #tpu.memory_space<vmem_shared>>
      tpu.enqueue_dma source(%arg9 : memref<128x128xf32, #tpu.memory_space<vmem>>) target(%dma_start3A_42 : memref<128x128xf32, #tpu.memory_space<vmem_shared>>) target_semaphore(%run_scoped3A : memref<!tpu.dma_semaphore, #tpu.memory_space<semaphore_mem>>)
      %dma_wait3A = arith.constant 0 : i32
      %dma_wait3A_43 = tpu.memref_slice %arg10[%add3A_27, %dma_wait3A] : memref<10240x128xf32, #tpu.memory_space<vmem_shared>> -> memref<128x128xf32, #tpu.memory_space<vmem_shared>>
      %dma_wait3A_44 = arith.constant 0 : i32
      %dma_wait3A_45 = tpu.memref_slice %arg10[%add3A_27, %dma_wait3A_44] : memref<10240x128xf32, #tpu.memory_space<vmem_shared>> -> memref<128x128xf32, #tpu.memory_space<vmem_shared>>
      tpu.wait_dma2 semaphore(%run_scoped3A : memref<!tpu.dma_semaphore, #tpu.memory_space<semaphore_mem>>) src(%arg9 : memref<128x128xf32, #tpu.memory_space<vmem>>) dst(%dma_wait3A_45 : memref<128x128xf32, #tpu.memory_space<vmem_shared>>)
      tpu.yield
    }) : () -> ()
    %barrier3A = arith.constant 0 : index
    tpu.barrier barrier_id(%barrier3A)
    "tpu.region"() ({
      %run_scoped3A = tpu.sem_alloc : memref<!tpu.dma_semaphore, #tpu.memory_space<semaphore_mem>>
      %dma_start3A = arith.constant 0 : i32
      %dma_start3A_40 = arith.constant 0 : i32
      %dma_start3A_41 = tpu.memref_slice %arg2[%add3A, %dma_start3A, %dma_start3A_40] : memref<32x79x128xi32, #tpu.memory_space<hbm>> -> memref<1x79x128xi32, #tpu.memory_space<hbm>>
      %dma_start3A_42 = tpu.memref_squeeze %dma_start3A_41 : memref<1x79x128xi32, #tpu.memory_space<hbm>> -> memref<79x128xi32, #tpu.memory_space<hbm>>
      %dma_start3A_43 = arith.constant 0 : i32
      %dma_start3A_44 = arith.constant 0 : i32
      %dma_start3A_45 = tpu.memref_slice %arg2[%add3A, %dma_start3A_43, %dma_start3A_44] : memref<32x79x128xi32, #tpu.memory_space<hbm>> -> memref<1x79x128xi32, #tpu.memory_space<hbm>>
      %dma_start3A_46 = tpu.memref_squeeze %dma_start3A_45 : memref<1x79x128xi32, #tpu.memory_space<hbm>> -> memref<79x128xi32, #tpu.memory_space<hbm>>
      tpu.enqueue_dma source(%dma_start3A_46 : memref<79x128xi32, #tpu.memory_space<hbm>>) target(%arg7 : memref<79x128xi32, #tpu.memory_space<vmem>>) target_semaphore(%run_scoped3A : memref<!tpu.dma_semaphore, #tpu.memory_space<semaphore_mem>>)
      %dma_wait3A = arith.constant 0 : i32
      %dma_wait3A_47 = arith.constant 0 : i32
      %dma_wait3A_48 = tpu.memref_slice %arg2[%add3A, %dma_wait3A, %dma_wait3A_47] : memref<32x79x128xi32, #tpu.memory_space<hbm>> -> memref<1x79x128xi32, #tpu.memory_space<hbm>>
      %dma_wait3A_49 = tpu.memref_squeeze %dma_wait3A_48 : memref<1x79x128xi32, #tpu.memory_space<hbm>> -> memref<79x128xi32, #tpu.memory_space<hbm>>
      %dma_wait3A_50 = arith.constant 0 : i32
      %dma_wait3A_51 = arith.constant 0 : i32
      %dma_wait3A_52 = tpu.memref_slice %arg2[%add3A, %dma_wait3A_50, %dma_wait3A_51] : memref<32x79x128xi32, #tpu.memory_space<hbm>> -> memref<1x79x128xi32, #tpu.memory_space<hbm>>
      %dma_wait3A_53 = tpu.memref_squeeze %dma_wait3A_52 : memref<1x79x128xi32, #tpu.memory_space<hbm>> -> memref<79x128xi32, #tpu.memory_space<hbm>>
      tpu.wait_dma2 semaphore(%run_scoped3A : memref<!tpu.dma_semaphore, #tpu.memory_space<semaphore_mem>>) src(%dma_wait3A_53 : memref<79x128xi32, #tpu.memory_space<hbm>>) dst(%arg7 : memref<79x128xi32, #tpu.memory_space<vmem>>)
      tpu.yield
    }) : () -> ()
    "tpu.region"() ({
      %run_scoped3A = tpu.sem_alloc : memref<!tpu.dma_semaphore, #tpu.memory_space<semaphore_mem>>
      %dma_start3A = arith.constant 0 : i32
      %dma_start3A_40 = arith.constant 0 : i32
      %dma_start3A_41 = tpu.memref_slice %arg3[%add3A, %dma_start3A, %dma_start3A_40] : memref<32x79x128xi32, #tpu.memory_space<hbm>> -> memref<1x79x128xi32, #tpu.memory_space<hbm>>
      %dma_start3A_42 = tpu.memref_squeeze %dma_start3A_41 : memref<1x79x128xi32, #tpu.memory_space<hbm>> -> memref<79x128xi32, #tpu.memory_space<hbm>>
      %dma_start3A_43 = arith.constant 0 : i32
      %dma_start3A_44 = arith.constant 0 : i32
      %dma_start3A_45 = tpu.memref_slice %arg3[%add3A, %dma_start3A_43, %dma_start3A_44] : memref<32x79x128xi32, #tpu.memory_space<hbm>> -> memref<1x79x128xi32, #tpu.memory_space<hbm>>
      %dma_start3A_46 = tpu.memref_squeeze %dma_start3A_45 : memref<1x79x128xi32, #tpu.memory_space<hbm>> -> memref<79x128xi32, #tpu.memory_space<hbm>>
      tpu.enqueue_dma source(%dma_start3A_46 : memref<79x128xi32, #tpu.memory_space<hbm>>) target(%arg8 : memref<79x128xi32, #tpu.memory_space<vmem>>) target_semaphore(%run_scoped3A : memref<!tpu.dma_semaphore, #tpu.memory_space<semaphore_mem>>)
      %dma_wait3A = arith.constant 0 : i32
      %dma_wait3A_47 = arith.constant 0 : i32
      %dma_wait3A_48 = tpu.memref_slice %arg3[%add3A, %dma_wait3A, %dma_wait3A_47] : memref<32x79x128xi32, #tpu.memory_space<hbm>> -> memref<1x79x128xi32, #tpu.memory_space<hbm>>
      %dma_wait3A_49 = tpu.memref_squeeze %dma_wait3A_48 : memref<1x79x128xi32, #tpu.memory_space<hbm>> -> memref<79x128xi32, #tpu.memory_space<hbm>>
      %dma_wait3A_50 = arith.constant 0 : i32
      %dma_wait3A_51 = arith.constant 0 : i32
      %dma_wait3A_52 = tpu.memref_slice %arg3[%add3A, %dma_wait3A_50, %dma_wait3A_51] : memref<32x79x128xi32, #tpu.memory_space<hbm>> -> memref<1x79x128xi32, #tpu.memory_space<hbm>>
      %dma_wait3A_53 = tpu.memref_squeeze %dma_wait3A_52 : memref<1x79x128xi32, #tpu.memory_space<hbm>> -> memref<79x128xi32, #tpu.memory_space<hbm>>
      tpu.wait_dma2 semaphore(%run_scoped3A : memref<!tpu.dma_semaphore, #tpu.memory_space<semaphore_mem>>) src(%dma_wait3A_53 : memref<79x128xi32, #tpu.memory_space<hbm>>) dst(%arg8 : memref<79x128xi32, #tpu.memory_space<vmem>>)
      tpu.yield
    }) : () -> ()
    %scan3A_28 = arith.constant 0 : i32
    %scan3A_29 = arith.constant 0 : i32
    %scan3A_30 = arith.constant 79 : i32
    %scan3A_31 = arith.addi %scan3A_29, %scan3A_30 : i32
    %scan3A_32 = arith.constant 1 : i32
    %scan3A_33 = scf.for %scan3A_40 = %scan3A_29 to %scan3A_31 step %scan3A_32 iter_args(%scan3A_41 = %scan3A_28) -> (i32)  : i32 {
      %dma_start3A = arith.constant 0 : i32
      %dma_start3A_42 = tpu.memref_slice %arg7[%scan3A_40, %dma_start3A] : memref<79x128xi32, #tpu.memory_space<vmem>> -> memref<1x128xi32, #tpu.memory_space<vmem>>
      %dma_start3A_43 = tpu.memref_squeeze %dma_start3A_42 : memref<1x128xi32, #tpu.memory_space<vmem>> -> memref<128xi32, #tpu.memory_space<vmem>>
      %dma_start3A_44 = arith.constant 0 : i32
      %dma_start3A_45 = arith.constant 0 : i32
      %dma_start3A_46 = tpu.memref_slice %arg4[%dma_start3A_44, %dma_start3A_45] : memref<10240x128xf32, #tpu.memory_space<hbm>> -> memref<10240x128xf32, #tpu.memory_space<hbm>>
      tpu.enqueue_indirect_dma source(%dma_start3A_46 : memref<10240x128xf32, #tpu.memory_space<hbm>>) target(%arg9 : memref<128x128xf32, #tpu.memory_space<vmem>>) offsets(%dma_start3A_43 : memref<128xi32, #tpu.memory_space<vmem>>) semaphore(%arg11 : memref<!tpu.dma_semaphore, #tpu.memory_space<semaphore_mem>>)
      %dma_wait3A = arith.constant 0 : i32
      %dma_wait3A_47 = tpu.memref_slice %arg7[%scan3A_40, %dma_wait3A] : memref<79x128xi32, #tpu.memory_space<vmem>> -> memref<1x128xi32, #tpu.memory_space<vmem>>
      %dma_wait3A_48 = tpu.memref_squeeze %dma_wait3A_47 : memref<1x128xi32, #tpu.memory_space<vmem>> -> memref<128xi32, #tpu.memory_space<vmem>>
      %dma_wait3A_49 = arith.constant 0 : i32
      %dma_wait3A_50 = arith.constant 0 : i32
      %dma_wait3A_51 = tpu.memref_slice %arg4[%dma_wait3A_49, %dma_wait3A_50] : memref<10240x128xf32, #tpu.memory_space<hbm>> -> memref<10240x128xf32, #tpu.memory_space<hbm>>
      tpu.wait_indirect_dma semaphore(%arg11 : memref<!tpu.dma_semaphore, #tpu.memory_space<semaphore_mem>>) src(%dma_wait3A_51 : memref<10240x128xf32, #tpu.memory_space<hbm>>) dst(%arg9 : memref<128x128xf32, #tpu.memory_space<vmem>>)
      "tpu.region"() ({
        %run_scoped3A = tpu.sem_alloc : memref<!tpu.dma_semaphore, #tpu.memory_space<semaphore_mem>>
        %dma_start3A_53 = arith.constant 0 : i32
        %dma_start3A_54 = tpu.memref_slice %arg8[%scan3A_40, %dma_start3A_53] : memref<79x128xi32, #tpu.memory_space<vmem>> -> memref<1x128xi32, #tpu.memory_space<vmem>>
        %dma_start3A_55 = tpu.memref_squeeze %dma_start3A_54 : memref<1x128xi32, #tpu.memory_space<vmem>> -> memref<128xi32, #tpu.memory_space<vmem>>
        %dma_start3A_56 = arith.constant 0 : i32
        %dma_start3A_57 = arith.constant 0 : i32
        %dma_start3A_58 = tpu.memref_slice %arg10[%dma_start3A_56, %dma_start3A_57] : memref<10240x128xf32, #tpu.memory_space<vmem_shared>> -> memref<10240x128xf32, #tpu.memory_space<vmem_shared>>
        tpu.enqueue_indirect_dma source(%arg9 : memref<128x128xf32, #tpu.memory_space<vmem>>) target(%dma_start3A_58 : memref<10240x128xf32, #tpu.memory_space<vmem_shared>>) offsets(%dma_start3A_55 : memref<128xi32, #tpu.memory_space<vmem>>) semaphore(%run_scoped3A : memref<!tpu.dma_semaphore, #tpu.memory_space<semaphore_mem>>) {add = true}
        %dma_wait3A_59 = arith.constant 0 : i32
        %dma_wait3A_60 = tpu.memref_slice %arg8[%scan3A_40, %dma_wait3A_59] : memref<79x128xi32, #tpu.memory_space<vmem>> -> memref<1x128xi32, #tpu.memory_space<vmem>>
        %dma_wait3A_61 = tpu.memref_squeeze %dma_wait3A_60 : memref<1x128xi32, #tpu.memory_space<vmem>> -> memref<128xi32, #tpu.memory_space<vmem>>
        %dma_wait3A_62 = arith.constant 0 : i32
        %dma_wait3A_63 = arith.constant 0 : i32
        %dma_wait3A_64 = tpu.memref_slice %arg10[%dma_wait3A_62, %dma_wait3A_63] : memref<10240x128xf32, #tpu.memory_space<vmem_shared>> -> memref<10240x128xf32, #tpu.memory_space<vmem_shared>>
        tpu.wait_indirect_dma semaphore(%run_scoped3A : memref<!tpu.dma_semaphore, #tpu.memory_space<semaphore_mem>>) src(%arg9 : memref<128x128xf32, #tpu.memory_space<vmem>>) dst(%dma_wait3A_64 : memref<10240x128xf32, #tpu.memory_space<vmem_shared>>)
        tpu.yield
      }) : () -> ()
      %scan3A_52 = arith.constant 0 : i32
      scf.yield %scan3A_52 : i32
    }
    %scan3A_34 = arith.constant 79 : i32
    %barrier3A_35 = arith.constant 0 : index
    tpu.barrier barrier_id(%barrier3A_35)
    %mul3A_36 = arith.constant 640 : i32
    %mul3A_37 = arith.muli %arg1, %mul3A_36 : i32
    %mul3A_38 = arith.constant 640 : i32
    %mul3A_39 = arith.muli %arg1, %mul3A_38 : i32
    "tpu.region"() ({
      %run_scoped3A = tpu.sem_alloc : memref<!tpu.dma_semaphore, #tpu.memory_space<semaphore_mem>>
      %dma_start3A = arith.constant 0 : i32
      %dma_start3A_40 = tpu.memref_slice %arg6[%arg0, %mul3A_39, %dma_start3A] : memref<2x10240x128xf32, #tpu.memory_space<hbm>> -> memref<1x640x128xf32, #tpu.memory_space<hbm>>
      %dma_start3A_41 = tpu.memref_squeeze %dma_start3A_40 : memref<1x640x128xf32, #tpu.memory_space<hbm>> -> memref<640x128xf32, #tpu.memory_space<hbm>>
      %dma_start3A_42 = arith.constant 0 : i32
      %dma_start3A_43 = tpu.memref_slice %arg10[%mul3A_37, %dma_start3A_42] : memref<10240x128xf32, #tpu.memory_space<vmem_shared>> -> memref<640x128xf32, #tpu.memory_space<vmem_shared>>
      tpu.enqueue_dma source(%dma_start3A_43 : memref<640x128xf32, #tpu.memory_space<vmem_shared>>) target(%dma_start3A_41 : memref<640x128xf32, #tpu.memory_space<hbm>>) target_semaphore(%run_scoped3A : memref<!tpu.dma_semaphore, #tpu.memory_space<semaphore_mem>>)
      %dma_wait3A = arith.constant 0 : i32
      %dma_wait3A_44 = tpu.memref_slice %arg6[%arg0, %mul3A_39, %dma_wait3A] : memref<2x10240x128xf32, #tpu.memory_space<hbm>> -> memref<1x640x128xf32, #tpu.memory_space<hbm>>
      %dma_wait3A_45 = tpu.memref_squeeze %dma_wait3A_44 : memref<1x640x128xf32, #tpu.memory_space<hbm>> -> memref<640x128xf32, #tpu.memory_space<hbm>>
      %dma_wait3A_46 = arith.constant 0 : i32
      %dma_wait3A_47 = tpu.memref_slice %arg10[%mul3A_37, %dma_wait3A_46] : memref<10240x128xf32, #tpu.memory_space<vmem_shared>> -> memref<640x128xf32, #tpu.memory_space<vmem_shared>>
      tpu.wait_dma2 semaphore(%run_scoped3A : memref<!tpu.dma_semaphore, #tpu.memory_space<semaphore_mem>>) src(%dma_wait3A_47 : memref<640x128xf32, #tpu.memory_space<vmem_shared>>) dst(%dma_wait3A_45 : memref<640x128xf32, #tpu.memory_space<hbm>>)
      tpu.yield
    }) : () -> ()
    return
  }
}

#map = affine_map<(d0, d1) -> (0, 0)>
module attributes {stable_mosaic.version = 14 : i64} {
  func.func @_gather_kernel(%arg0: i32, %arg1: i32, %arg2: memref<32x128xi32, #tpu.memory_space<hbm>>, %arg3: memref<10240x128xf32, #tpu.memory_space<hbm>>, %arg4: memref<4096x128xf32, #tpu.memory_space<hbm>>, %arg5: memref<128xi32, #tpu.memory_space<vmem>>, %arg6: memref<128x128xf32, #tpu.memory_space<vmem>>, %arg7: memref<!tpu.dma_semaphore, #tpu.memory_space<semaphore_mem>>) attributes {dimension_semantics = [#tpu.dimension_semantics<core_parallel>, #tpu.dimension_semantics<subcore_parallel>], iteration_bounds = array<i64: 2, 16>, scalar_prefetch = 0 : i64, scratch_operands = 3 : i64, tpu.core_type = #tpu.core_type<sc_vector_subcore>, window_params = [{transform_indices = #map}, {transform_indices = #map}, {transform_indices = #map}]} {
    %mul3A = arith.constant 16 : i32
    %mul3A_0 = arith.muli %arg0, %mul3A : i32
    %add3A = arith.addi %mul3A_0, %arg1 : i32
    "tpu.region"() ({
      %run_scoped3A = tpu.sem_alloc : memref<!tpu.dma_semaphore, #tpu.memory_space<semaphore_mem>>
      %dma_start3A_7 = arith.constant 0 : i32
      %dma_start3A_8 = tpu.memref_slice %arg2[%add3A, %dma_start3A_7] : memref<32x128xi32, #tpu.memory_space<hbm>> -> memref<1x128xi32, #tpu.memory_space<hbm>>
      %dma_start3A_9 = tpu.memref_squeeze %dma_start3A_8 : memref<1x128xi32, #tpu.memory_space<hbm>> -> memref<128xi32, #tpu.memory_space<hbm>>
      %dma_start3A_10 = arith.constant 0 : i32
      %dma_start3A_11 = tpu.memref_slice %arg2[%add3A, %dma_start3A_10] : memref<32x128xi32, #tpu.memory_space<hbm>> -> memref<1x128xi32, #tpu.memory_space<hbm>>
      %dma_start3A_12 = tpu.memref_squeeze %dma_start3A_11 : memref<1x128xi32, #tpu.memory_space<hbm>> -> memref<128xi32, #tpu.memory_space<hbm>>
      tpu.enqueue_dma source(%dma_start3A_12 : memref<128xi32, #tpu.memory_space<hbm>>) target(%arg5 : memref<128xi32, #tpu.memory_space<vmem>>) target_semaphore(%run_scoped3A : memref<!tpu.dma_semaphore, #tpu.memory_space<semaphore_mem>>)
      %dma_wait3A_13 = arith.constant 0 : i32
      %dma_wait3A_14 = tpu.memref_slice %arg2[%add3A, %dma_wait3A_13] : memref<32x128xi32, #tpu.memory_space<hbm>> -> memref<1x128xi32, #tpu.memory_space<hbm>>
      %dma_wait3A_15 = tpu.memref_squeeze %dma_wait3A_14 : memref<1x128xi32, #tpu.memory_space<hbm>> -> memref<128xi32, #tpu.memory_space<hbm>>
      %dma_wait3A_16 = arith.constant 0 : i32
      %dma_wait3A_17 = tpu.memref_slice %arg2[%add3A, %dma_wait3A_16] : memref<32x128xi32, #tpu.memory_space<hbm>> -> memref<1x128xi32, #tpu.memory_space<hbm>>
      %dma_wait3A_18 = tpu.memref_squeeze %dma_wait3A_17 : memref<1x128xi32, #tpu.memory_space<hbm>> -> memref<128xi32, #tpu.memory_space<hbm>>
      tpu.wait_dma2 semaphore(%run_scoped3A : memref<!tpu.dma_semaphore, #tpu.memory_space<semaphore_mem>>) src(%dma_wait3A_18 : memref<128xi32, #tpu.memory_space<hbm>>) dst(%arg5 : memref<128xi32, #tpu.memory_space<vmem>>)
      tpu.yield
    }) : () -> ()
    %dma_start3A = arith.constant 0 : i32
    %dma_start3A_1 = arith.constant 0 : i32
    %dma_start3A_2 = tpu.memref_slice %arg3[%dma_start3A, %dma_start3A_1] : memref<10240x128xf32, #tpu.memory_space<hbm>> -> memref<10240x128xf32, #tpu.memory_space<hbm>>
    tpu.enqueue_indirect_dma source(%dma_start3A_2 : memref<10240x128xf32, #tpu.memory_space<hbm>>) target(%arg6 : memref<128x128xf32, #tpu.memory_space<vmem>>) offsets(%arg5 : memref<128xi32, #tpu.memory_space<vmem>>) semaphore(%arg7 : memref<!tpu.dma_semaphore, #tpu.memory_space<semaphore_mem>>)
    %dma_wait3A = arith.constant 0 : i32
    %dma_wait3A_3 = arith.constant 0 : i32
    %dma_wait3A_4 = tpu.memref_slice %arg3[%dma_wait3A, %dma_wait3A_3] : memref<10240x128xf32, #tpu.memory_space<hbm>> -> memref<10240x128xf32, #tpu.memory_space<hbm>>
    tpu.wait_indirect_dma semaphore(%arg7 : memref<!tpu.dma_semaphore, #tpu.memory_space<semaphore_mem>>) src(%dma_wait3A_4 : memref<10240x128xf32, #tpu.memory_space<hbm>>) dst(%arg6 : memref<128x128xf32, #tpu.memory_space<vmem>>)
    %mul3A_5 = arith.constant 128 : i32
    %mul3A_6 = arith.muli %add3A, %mul3A_5 : i32
    "tpu.region"() ({
      %run_scoped3A = tpu.sem_alloc : memref<!tpu.dma_semaphore, #tpu.memory_space<semaphore_mem>>
      %dma_start3A_7 = arith.constant 0 : i32
      %dma_start3A_8 = tpu.memref_slice %arg4[%mul3A_6, %dma_start3A_7] : memref<4096x128xf32, #tpu.memory_space<hbm>> -> memref<128x128xf32, #tpu.memory_space<hbm>>
      %dma_start3A_9 = arith.constant 0 : i32
      %dma_start3A_10 = tpu.memref_slice %arg4[%mul3A_6, %dma_start3A_9] : memref<4096x128xf32, #tpu.memory_space<hbm>> -> memref<128x128xf32, #tpu.memory_space<hbm>>
      tpu.enqueue_dma source(%arg6 : memref<128x128xf32, #tpu.memory_space<vmem>>) target(%dma_start3A_10 : memref<128x128xf32, #tpu.memory_space<hbm>>) target_semaphore(%run_scoped3A : memref<!tpu.dma_semaphore, #tpu.memory_space<semaphore_mem>>)
      %dma_wait3A_11 = arith.constant 0 : i32
      %dma_wait3A_12 = tpu.memref_slice %arg4[%mul3A_6, %dma_wait3A_11] : memref<4096x128xf32, #tpu.memory_space<hbm>> -> memref<128x128xf32, #tpu.memory_space<hbm>>
      %dma_wait3A_13 = arith.constant 0 : i32
      %dma_wait3A_14 = tpu.memref_slice %arg4[%mul3A_6, %dma_wait3A_13] : memref<4096x128xf32, #tpu.memory_space<hbm>> -> memref<128x128xf32, #tpu.memory_space<hbm>>
      tpu.wait_dma2 semaphore(%run_scoped3A : memref<!tpu.dma_semaphore, #tpu.memory_space<semaphore_mem>>) src(%arg6 : memref<128x128xf32, #tpu.memory_space<vmem>>) dst(%dma_wait3A_14 : memref<128x128xf32, #tpu.memory_space<hbm>>)
      tpu.yield
    }) : () -> ()
    return
  }
}

module attributes {stable_mosaic.version = 14 : i64} {
  func.func @_k1_body(%arg0: i32, %arg1: memref<2048x128xf32, #tpu.memory_space<vmem>>, %arg2: memref<2x2048x1xf32, #tpu.memory_space<vmem>>, %arg3: memref<128x128xf32, #tpu.memory_space<vmem>>, %arg4: memref<2048x128xf32, #tpu.memory_space<vmem>>) attributes {dimension_semantics = [#tpu.dimension_semantics<arbitrary>], iteration_bounds = array<i64: 5>, scalar_prefetch = 0 : i64, scratch_operands = 0 : i64, tpu.core_type = #tpu.core_type<tc>, window_params = [{transform_indices = @transform_0, window_bounds = array<i64: 2048, 128>}, {transform_indices = @transform_1, window_bounds = array<i64: 2, 2048, 1>}, {pipeline_mode = #tpu.pipeline_mode<synchronous>, transform_indices = @transform_2, window_bounds = array<i64: 128, 128>}, {transform_indices = @transform_3, window_bounds = array<i64: 2048, 128>}]} {
    %get3A = arith.constant 0 : index
    %get3A_0 = arith.constant 0 : index
    %get3A_1 = vector.load %arg1[%get3A, %get3A_0] : memref<2048x128xf32, #tpu.memory_space<vmem>>, vector<2048x128xf32>
    %mul3A = arith.mulf %get3A_1, %get3A_1 : vector<2048x128xf32>
    %reduce_sum3A = arith.constant dense<0.000000e+00> : vector<2048xf32>
    %reduce_sum3A_2 = vector.multi_reduction <add>, %mul3A, %reduce_sum3A [1] : vector<2048x128xf32> to vector<2048xf32>
    %broadcast_in_dim3A = vector.shape_cast %reduce_sum3A_2 : vector<2048xf32> to vector<2048x1xf32>
    %sqrt3A = math.sqrt %broadcast_in_dim3A : vector<2048x1xf32>
    %gt3A = arith.constant 1.000000e+00 : f32
    %gt3A_3 = vector.broadcast %gt3A : f32 to vector<2048x1xf32>
    %gt3A_4 = arith.cmpf ogt, %sqrt3A, %gt3A_3 : vector<2048x1xf32>
    %add3A = arith.constant 1.000000e-07 : f32
    %add3A_5 = vector.broadcast %add3A : f32 to vector<2048x1xf32>
    %add3A_6 = arith.addf %sqrt3A, %add3A_5 : vector<2048x1xf32>
    %div3A = arith.constant 1.000000e+00 : f32
    %div3A_7 = vector.broadcast %div3A : f32 to vector<2048x1xf32>
    %div3A_8 = arith.divf %div3A_7, %add3A_6 : vector<2048x1xf32>
    %jit3A = arith.constant 1.000000e+00 : f32
    %broadcast_in_dim3A_9 = vector.broadcast %jit3A : f32 to vector<2048x1xf32>
    %select_n3A = arith.select %gt3A_4, %div3A_8, %broadcast_in_dim3A_9 : vector<2048x1xi1>, vector<2048x1xf32>
    %mul3A_10 = vector.broadcast %select_n3A : vector<2048x1xf32> to vector<2048x128xf32>
    %mul3A_11 = arith.mulf %get3A_1, %mul3A_10 : vector<2048x128xf32>
    %get3A_12 = arith.constant 0 : index
    %get3A_13 = arith.constant 0 : index
    %get3A_14 = vector.load %arg3[%get3A_12, %get3A_13] : memref<128x128xf32, #tpu.memory_space<vmem>>, vector<128x128xf32>
    %dot_general3A = arith.constant dense<0.000000e+00> : vector<2048x128xf32>
    %dot_general3A_15 = tpu.matmul %mul3A_11, %get3A_14, %dot_general3A {dimension_numbers = #tpu.dot_dimension_numbers<[1], [0], [0], [1], [0, 0, 1, 1], [], []>, precision = #tpu.contract_precision<fp32>, transpose_lhs_hint = false} : vector<2048x128xf32>, vector<128x128xf32>, vector<2048x128xf32> -> vector<2048x128xf32>
    %get3A_16 = arith.constant 0 : index
    %get3A_17 = arith.constant 0 : index
    %get3A_18 = arith.constant 0 : index
    %get3A_19 = vector.load %arg2[%get3A_16, %get3A_17, %get3A_18] : memref<2x2048x1xf32, #tpu.memory_space<vmem>>, vector<1x2048x1xf32>
    %get3A_20 = vector.shape_cast %get3A_19 : vector<1x2048x1xf32> to vector<2048x1xf32>
    %get3A_21 = arith.constant 1 : index
    %get3A_22 = arith.constant 0 : index
    %get3A_23 = arith.constant 0 : index
    %get3A_24 = vector.load %arg2[%get3A_21, %get3A_22, %get3A_23] : memref<2x2048x1xf32, #tpu.memory_space<vmem>>, vector<1x2048x1xf32>
    %get3A_25 = vector.shape_cast %get3A_24 : vector<1x2048x1xf32> to vector<2048x1xf32>
    %add3A_26 = arith.addf %get3A_20, %get3A_25 : vector<2048x1xf32>
    %add3A_27 = arith.constant 1.000000e+00 : f32
    %add3A_28 = vector.broadcast %add3A_27 : f32 to vector<2048x1xf32>
    %add3A_29 = arith.addf %add3A_26, %add3A_28 : vector<2048x1xf32>
    %rsqrt3A = math.rsqrt %add3A_29 : vector<2048x1xf32>
    %mul3A_30 = vector.broadcast %rsqrt3A : vector<2048x1xf32> to vector<2048x128xf32>
    %mul3A_31 = arith.mulf %dot_general3A_15, %mul3A_30 : vector<2048x128xf32>
    %swap3A = arith.constant 0 : index
    %swap3A_32 = arith.constant 0 : index
    %swap3A_33 = vector.load %arg4[%swap3A, %swap3A_32] : memref<2048x128xf32, #tpu.memory_space<vmem>>, vector<2048x128xf32>
    tpu.vector_store %arg4[%swap3A, %swap3A_32], %mul3A_31 {strides = array<i32>} : memref<2048x128xf32, #tpu.memory_space<vmem>>, vector<2048x128xf32>,
    return
  }
  func.func @transform_0(%arg0: i32) -> (i32, i32) {
    %c0_i32 = arith.constant 0 : i32
    %c0_i32_0 = arith.constant 0 : i32
    return %arg0, %c0_i32 : i32, i32
  }
  func.func @transform_1(%arg0: i32) -> (i32, i32, i32) {
    %c0_i32 = arith.constant 0 : i32
    %c0_i32_0 = arith.constant 0 : i32
    %c0_i32_1 = arith.constant 0 : i32
    return %c0_i32, %arg0, %c0_i32_0 : i32, i32, i32
  }
  func.func @transform_2(%arg0: i32) -> (i32, i32) {
    %c0_i32 = arith.constant 0 : i32
    %c0_i32_0 = arith.constant 0 : i32
    %c0_i32_1 = arith.constant 0 : i32
    return %c0_i32, %c0_i32_0 : i32, i32
  }
  func.func @transform_3(%arg0: i32) -> (i32, i32) {
    %c0_i32 = arith.constant 0 : i32
    %c0_i32_0 = arith.constant 0 : i32
    return %arg0, %c0_i32 : i32, i32
  }
}

module attributes {stable_mosaic.version = 14 : i64} {
  func.func @_k3_body(%arg0: i32, %arg1: memref<2048x128xf32, #tpu.memory_space<vmem>>, %arg2: memref<2x2048x128xf32, #tpu.memory_space<vmem>>, %arg3: memref<2x2048x1xf32, #tpu.memory_space<vmem>>, %arg4: memref<1x128xf32, #tpu.memory_space<vmem>>, %arg5: memref<128x128xf32, #tpu.memory_space<vmem>>, %arg6: memref<2048x128xf32, #tpu.memory_space<vmem>>) attributes {dimension_semantics = [#tpu.dimension_semantics<arbitrary>], iteration_bounds = array<i64: 5>, scalar_prefetch = 0 : i64, scratch_operands = 0 : i64, tpu.core_type = #tpu.core_type<tc>, window_params = [{transform_indices = @transform_0, window_bounds = array<i64: 2048, 128>}, {transform_indices = @transform_1, window_bounds = array<i64: 2, 2048, 128>}, {transform_indices = @transform_2, window_bounds = array<i64: 2, 2048, 1>}, {pipeline_mode = #tpu.pipeline_mode<synchronous>, transform_indices = @transform_3, window_bounds = array<i64: 1, 128>}, {pipeline_mode = #tpu.pipeline_mode<synchronous>, transform_indices = @transform_4, window_bounds = array<i64: 128, 128>}, {transform_indices = @transform_5, window_bounds = array<i64: 2048, 128>}]} {
    %get3A = arith.constant 0 : index
    %get3A_0 = arith.constant 0 : index
    %get3A_1 = arith.constant 0 : index
    %get3A_2 = vector.load %arg3[%get3A, %get3A_0, %get3A_1] : memref<2x2048x1xf32, #tpu.memory_space<vmem>>, vector<1x2048x1xf32>
    %get3A_3 = vector.shape_cast %get3A_2 : vector<1x2048x1xf32> to vector<2048x1xf32>
    %get3A_4 = arith.constant 1 : index
    %get3A_5 = arith.constant 0 : index
    %get3A_6 = arith.constant 0 : index
    %get3A_7 = vector.load %arg3[%get3A_4, %get3A_5, %get3A_6] : memref<2x2048x1xf32, #tpu.memory_space<vmem>>, vector<1x2048x1xf32>
    %get3A_8 = vector.shape_cast %get3A_7 : vector<1x2048x1xf32> to vector<2048x1xf32>
    %add3A = arith.addf %get3A_3, %get3A_8 : vector<2048x1xf32>
    %add3A_9 = arith.constant 1.000000e+00 : f32
    %add3A_10 = vector.broadcast %add3A_9 : f32 to vector<2048x1xf32>
    %add3A_11 = arith.addf %add3A, %add3A_10 : vector<2048x1xf32>
    %rsqrt3A = math.rsqrt %add3A_11 : vector<2048x1xf32>
    %get3A_12 = arith.constant 0 : index
    %get3A_13 = arith.constant 0 : index
    %get3A_14 = vector.load %arg1[%get3A_12, %get3A_13] : memref<2048x128xf32, #tpu.memory_space<vmem>>, vector<2048x128xf32>
    %get3A_15 = arith.constant 0 : index
    %get3A_16 = arith.constant 0 : index
    %get3A_17 = arith.constant 0 : index
    %get3A_18 = vector.load %arg2[%get3A_15, %get3A_16, %get3A_17] : memref<2x2048x128xf32, #tpu.memory_space<vmem>>, vector<1x2048x128xf32>
    %get3A_19 = vector.shape_cast %get3A_18 : vector<1x2048x128xf32> to vector<2048x128xf32>
    %add3A_20 = arith.addf %get3A_14, %get3A_19 : vector<2048x128xf32>
    %get3A_21 = arith.constant 1 : index
    %get3A_22 = arith.constant 0 : index
    %get3A_23 = arith.constant 0 : index
    %get3A_24 = vector.load %arg2[%get3A_21, %get3A_22, %get3A_23] : memref<2x2048x128xf32, #tpu.memory_space<vmem>>, vector<1x2048x128xf32>
    %get3A_25 = vector.shape_cast %get3A_24 : vector<1x2048x128xf32> to vector<2048x128xf32>
    %add3A_26 = arith.addf %add3A_20, %get3A_25 : vector<2048x128xf32>
    %mul3A = vector.broadcast %rsqrt3A : vector<2048x1xf32> to vector<2048x128xf32>
    %mul3A_27 = arith.mulf %add3A_26, %mul3A : vector<2048x128xf32>
    %get3A_28 = arith.constant 0 : index
    %get3A_29 = arith.constant 0 : index
    %get3A_30 = vector.load %arg4[%get3A_28, %get3A_29] : memref<1x128xf32, #tpu.memory_space<vmem>>, vector<1x128xf32>
    %add3A_31 = vector.broadcast %get3A_30 : vector<1x128xf32> to vector<2048x128xf32>
    %add3A_32 = arith.addf %mul3A_27, %add3A_31 : vector<2048x128xf32>
    %max3A = arith.constant 0.000000e+00 : f32
    %max3A_33 = vector.broadcast %max3A : f32 to vector<2048x128xf32>
    %max3A_34 = arith.maximumf %add3A_32, %max3A_33 : vector<2048x128xf32>
    %get3A_35 = arith.constant 0 : index
    %get3A_36 = arith.constant 0 : index
    %get3A_37 = vector.load %arg5[%get3A_35, %get3A_36] : memref<128x128xf32, #tpu.memory_space<vmem>>, vector<128x128xf32>
    %dot_general3A = arith.constant dense<0.000000e+00> : vector<2048x128xf32>
    %dot_general3A_38 = tpu.matmul %max3A_34, %get3A_37, %dot_general3A {dimension_numbers = #tpu.dot_dimension_numbers<[1], [0], [0], [1], [0, 0, 1, 1], [], []>, precision = #tpu.contract_precision<fp32>, transpose_lhs_hint = false} : vector<2048x128xf32>, vector<128x128xf32>, vector<2048x128xf32> -> vector<2048x128xf32>
    %mul3A_39 = vector.broadcast %rsqrt3A : vector<2048x1xf32> to vector<2048x128xf32>
    %mul3A_40 = arith.mulf %dot_general3A_38, %mul3A_39 : vector<2048x128xf32>
    %swap3A = arith.constant 0 : index
    %swap3A_41 = arith.constant 0 : index
    %swap3A_42 = vector.load %arg6[%swap3A, %swap3A_41] : memref<2048x128xf32, #tpu.memory_space<vmem>>, vector<2048x128xf32>
    tpu.vector_store %arg6[%swap3A, %swap3A_41], %mul3A_40 {strides = array<i32>} : memref<2048x128xf32, #tpu.memory_space<vmem>>, vector<2048x128xf32>,
    return
  }
  func.func @transform_0(%arg0: i32) -> (i32, i32) {
    %c0_i32 = arith.constant 0 : i32
    %c0_i32_0 = arith.constant 0 : i32
    return %arg0, %c0_i32 : i32, i32
  }
  func.func @transform_1(%arg0: i32) -> (i32, i32, i32) {
    %c0_i32 = arith.constant 0 : i32
    %c0_i32_0 = arith.constant 0 : i32
    %c0_i32_1 = arith.constant 0 : i32
    return %c0_i32, %arg0, %c0_i32_0 : i32, i32, i32
  }
  func.func @transform_2(%arg0: i32) -> (i32, i32, i32) {
    %c0_i32 = arith.constant 0 : i32
    %c0_i32_0 = arith.constant 0 : i32
    %c0_i32_1 = arith.constant 0 : i32
    return %c0_i32, %arg0, %c0_i32_0 : i32, i32, i32
  }
  func.func @transform_3(%arg0: i32) -> (i32, i32) {
    %c0_i32 = arith.constant 0 : i32
    %c0_i32_0 = arith.constant 0 : i32
    %c0_i32_1 = arith.constant 0 : i32
    return %c0_i32, %c0_i32_0 : i32, i32
  }
  func.func @transform_4(%arg0: i32) -> (i32, i32) {
    %c0_i32 = arith.constant 0 : i32
    %c0_i32_0 = arith.constant 0 : i32
    %c0_i32_1 = arith.constant 0 : i32
    return %c0_i32, %c0_i32_0 : i32, i32
  }
  func.func @transform_5(%arg0: i32) -> (i32, i32) {
    %c0_i32 = arith.constant 0 : i32
    %c0_i32_0 = arith.constant 0 : i32
    return %arg0, %c0_i32 : i32, i32
  }
}

module attributes {stable_mosaic.version = 14 : i64} {
  func.func @_k5_body(%arg0: i32, %arg1: memref<2048x128xf32, #tpu.memory_space<vmem>>, %arg2: memref<2x2048x128xf32, #tpu.memory_space<vmem>>, %arg3: memref<2x2048x1xf32, #tpu.memory_space<vmem>>, %arg4: memref<1x128xf32, #tpu.memory_space<vmem>>, %arg5: memref<2048x128xf32, #tpu.memory_space<vmem>>) attributes {dimension_semantics = [#tpu.dimension_semantics<arbitrary>], iteration_bounds = array<i64: 5>, scalar_prefetch = 0 : i64, scratch_operands = 0 : i64, tpu.core_type = #tpu.core_type<tc>, window_params = [{transform_indices = @transform_0, window_bounds = array<i64: 2048, 128>}, {transform_indices = @transform_1, window_bounds = array<i64: 2, 2048, 128>}, {transform_indices = @transform_2, window_bounds = array<i64: 2, 2048, 1>}, {pipeline_mode = #tpu.pipeline_mode<synchronous>, transform_indices = @transform_3, window_bounds = array<i64: 1, 128>}, {transform_indices = @transform_4, window_bounds = array<i64: 2048, 128>}]} {
    %get3A = arith.constant 0 : index
    %get3A_0 = arith.constant 0 : index
    %get3A_1 = vector.load %arg1[%get3A, %get3A_0] : memref<2048x128xf32, #tpu.memory_space<vmem>>, vector<2048x128xf32>
    %get3A_2 = arith.constant 0 : index
    %get3A_3 = arith.constant 0 : index
    %get3A_4 = arith.constant 0 : index
    %get3A_5 = vector.load %arg2[%get3A_2, %get3A_3, %get3A_4] : memref<2x2048x128xf32, #tpu.memory_space<vmem>>, vector<1x2048x128xf32>
    %get3A_6 = vector.shape_cast %get3A_5 : vector<1x2048x128xf32> to vector<2048x128xf32>
    %add3A = arith.addf %get3A_1, %get3A_6 : vector<2048x128xf32>
    %get3A_7 = arith.constant 1 : index
    %get3A_8 = arith.constant 0 : index
    %get3A_9 = arith.constant 0 : index
    %get3A_10 = vector.load %arg2[%get3A_7, %get3A_8, %get3A_9] : memref<2x2048x128xf32, #tpu.memory_space<vmem>>, vector<1x2048x128xf32>
    %get3A_11 = vector.shape_cast %get3A_10 : vector<1x2048x128xf32> to vector<2048x128xf32>
    %add3A_12 = arith.addf %add3A, %get3A_11 : vector<2048x128xf32>
    %get3A_13 = arith.constant 0 : index
    %get3A_14 = arith.constant 0 : index
    %get3A_15 = arith.constant 0 : index
    %get3A_16 = vector.load %arg3[%get3A_13, %get3A_14, %get3A_15] : memref<2x2048x1xf32, #tpu.memory_space<vmem>>, vector<1x2048x1xf32>
    %get3A_17 = vector.shape_cast %get3A_16 : vector<1x2048x1xf32> to vector<2048x1xf32>
    %get3A_18 = arith.constant 1 : index
    %get3A_19 = arith.constant 0 : index
    %get3A_20 = arith.constant 0 : index
    %get3A_21 = vector.load %arg3[%get3A_18, %get3A_19, %get3A_20] : memref<2x2048x1xf32, #tpu.memory_space<vmem>>, vector<1x2048x1xf32>
    %get3A_22 = vector.shape_cast %get3A_21 : vector<1x2048x1xf32> to vector<2048x1xf32>
    %add3A_23 = arith.addf %get3A_17, %get3A_22 : vector<2048x1xf32>
    %add3A_24 = arith.constant 1.000000e+00 : f32
    %add3A_25 = vector.broadcast %add3A_24 : f32 to vector<2048x1xf32>
    %add3A_26 = arith.addf %add3A_23, %add3A_25 : vector<2048x1xf32>
    %rsqrt3A = math.rsqrt %add3A_26 : vector<2048x1xf32>
    %mul3A = vector.broadcast %rsqrt3A : vector<2048x1xf32> to vector<2048x128xf32>
    %mul3A_27 = arith.mulf %add3A_12, %mul3A : vector<2048x128xf32>
    %get3A_28 = arith.constant 0 : index
    %get3A_29 = arith.constant 0 : index
    %get3A_30 = vector.load %arg4[%get3A_28, %get3A_29] : memref<1x128xf32, #tpu.memory_space<vmem>>, vector<1x128xf32>
    %add3A_31 = vector.broadcast %get3A_30 : vector<1x128xf32> to vector<2048x128xf32>
    %add3A_32 = arith.addf %mul3A_27, %add3A_31 : vector<2048x128xf32>
    %swap3A = arith.constant 0 : index
    %swap3A_33 = arith.constant 0 : index
    %swap3A_34 = vector.load %arg5[%swap3A, %swap3A_33] : memref<2048x128xf32, #tpu.memory_space<vmem>>, vector<2048x128xf32>
    tpu.vector_store %arg5[%swap3A, %swap3A_33], %add3A_32 {strides = array<i32>} : memref<2048x128xf32, #tpu.memory_space<vmem>>, vector<2048x128xf32>,
    return
  }
  func.func @transform_0(%arg0: i32) -> (i32, i32) {
    %c0_i32 = arith.constant 0 : i32
    %c0_i32_0 = arith.constant 0 : i32
    return %arg0, %c0_i32 : i32, i32
  }
  func.func @transform_1(%arg0: i32) -> (i32, i32, i32) {
    %c0_i32 = arith.constant 0 : i32
    %c0_i32_0 = arith.constant 0 : i32
    %c0_i32_1 = arith.constant 0 : i32
    return %c0_i32, %arg0, %c0_i32_0 : i32, i32, i32
  }
  func.func @transform_2(%arg0: i32) -> (i32, i32, i32) {
    %c0_i32 = arith.constant 0 : i32
    %c0_i32_0 = arith.constant 0 : i32
    %c0_i32_1 = arith.constant 0 : i32
    return %c0_i32, %arg0, %c0_i32_0 : i32, i32, i32
  }
  func.func @transform_3(%arg0: i32) -> (i32, i32) {
    %c0_i32 = arith.constant 0 : i32
    %c0_i32_0 = arith.constant 0 : i32
    %c0_i32_1 = arith.constant 0 : i32
    return %c0_i32, %c0_i32_0 : i32, i32
  }
  func.func @transform_4(%arg0: i32) -> (i32, i32) {
    %c0_i32 = arith.constant 0 : i32
    %c0_i32_0 = arith.constant 0 : i32
    return %arg0, %c0_i32 : i32, i32
  }
}

module attributes {stable_mosaic.version = 14 : i64} {
  func.func @_k7_body(%arg0: i32, %arg1: memref<2048x128xf32, #tpu.memory_space<vmem>>, %arg2: memref<2048x128xf32, #tpu.memory_space<vmem>>, %arg3: memref<2048x1xf32, #tpu.memory_space<vmem>>) attributes {dimension_semantics = [#tpu.dimension_semantics<arbitrary>], iteration_bounds = array<i64: 2>, scalar_prefetch = 0 : i64, scratch_operands = 0 : i64, tpu.core_type = #tpu.core_type<tc>, window_params = [{transform_indices = @transform_0, window_bounds = array<i64: 2048, 128>}, {transform_indices = @transform_1, window_bounds = array<i64: 2048, 128>}, {transform_indices = @transform_2, window_bounds = array<i64: 2048, 1>}]} {
    %get3A = arith.constant 0 : index
    %get3A_0 = arith.constant 0 : index
    %get3A_1 = vector.load %arg1[%get3A, %get3A_0] : memref<2048x128xf32, #tpu.memory_space<vmem>>, vector<2048x128xf32>
    %mul3A = arith.mulf %get3A_1, %get3A_1 : vector<2048x128xf32>
    %reduce_sum3A = arith.constant dense<0.000000e+00> : vector<2048xf32>
    %reduce_sum3A_2 = vector.multi_reduction <add>, %mul3A, %reduce_sum3A [1] : vector<2048x128xf32> to vector<2048xf32>
    %broadcast_in_dim3A = vector.shape_cast %reduce_sum3A_2 : vector<2048xf32> to vector<2048x1xf32>
    %sqrt3A = math.sqrt %broadcast_in_dim3A : vector<2048x1xf32>
    %gt3A = arith.constant 1.000000e+00 : f32
    %gt3A_3 = vector.broadcast %gt3A : f32 to vector<2048x1xf32>
    %gt3A_4 = arith.cmpf ogt, %sqrt3A, %gt3A_3 : vector<2048x1xf32>
    %add3A = arith.constant 1.000000e-07 : f32
    %add3A_5 = vector.broadcast %add3A : f32 to vector<2048x1xf32>
    %add3A_6 = arith.addf %sqrt3A, %add3A_5 : vector<2048x1xf32>
    %div3A = arith.constant 1.000000e+00 : f32
    %div3A_7 = vector.broadcast %div3A : f32 to vector<2048x1xf32>
    %div3A_8 = arith.divf %div3A_7, %add3A_6 : vector<2048x1xf32>
    %jit3A = arith.constant 1.000000e+00 : f32
    %broadcast_in_dim3A_9 = vector.broadcast %jit3A : f32 to vector<2048x1xf32>
    %select_n3A = arith.select %gt3A_4, %div3A_8, %broadcast_in_dim3A_9 : vector<2048x1xi1>, vector<2048x1xf32>
    %mul3A_10 = vector.broadcast %select_n3A : vector<2048x1xf32> to vector<2048x128xf32>
    %mul3A_11 = arith.mulf %get3A_1, %mul3A_10 : vector<2048x128xf32>
    %get3A_12 = arith.constant 0 : index
    %get3A_13 = arith.constant 0 : index
    %get3A_14 = vector.load %arg2[%get3A_12, %get3A_13] : memref<2048x128xf32, #tpu.memory_space<vmem>>, vector<2048x128xf32>
    %mul3A_15 = arith.mulf %mul3A_11, %get3A_14 : vector<2048x128xf32>
    %reduce_sum3A_16 = arith.constant dense<0.000000e+00> : vector<2048xf32>
    %reduce_sum3A_17 = vector.multi_reduction <add>, %mul3A_15, %reduce_sum3A_16 [1] : vector<2048x128xf32> to vector<2048xf32>
    %broadcast_in_dim3A_18 = vector.shape_cast %reduce_sum3A_17 : vector<2048xf32> to vector<2048x1xf32>
    %logistic3A = arith.negf %broadcast_in_dim3A_18 : vector<2048x1xf32>
    %logistic3A_19 = math.exp %logistic3A : vector<2048x1xf32>
    %logistic3A_20 = arith.constant 1.000000e+00 : f32
    %logistic3A_21 = vector.broadcast %logistic3A_20 : f32 to vector<2048x1xf32>
    %logistic3A_22 = arith.addf %logistic3A_21, %logistic3A_19 : vector<2048x1xf32>
    %logistic3A_23 = arith.divf %logistic3A_21, %logistic3A_22 : vector<2048x1xf32>
    %swap3A = arith.constant 0 : index
    %swap3A_24 = arith.constant 0 : index
    %swap3A_25 = vector.load %arg3[%swap3A, %swap3A_24] : memref<2048x1xf32, #tpu.memory_space<vmem>>, vector<2048x1xf32>
    tpu.vector_store %arg3[%swap3A, %swap3A_24], %logistic3A_23 {strides = array<i32>} : memref<2048x1xf32, #tpu.memory_space<vmem>>, vector<2048x1xf32>,
    return
  }
  func.func @transform_0(%arg0: i32) -> (i32, i32) {
    %c0_i32 = arith.constant 0 : i32
    %c0_i32_0 = arith.constant 0 : i32
    return %arg0, %c0_i32 : i32, i32
  }
  func.func @transform_1(%arg0: i32) -> (i32, i32) {
    %c0_i32 = arith.constant 0 : i32
    %c0_i32_0 = arith.constant 0 : i32
    return %arg0, %c0_i32 : i32, i32
  }
  func.func @transform_2(%arg0: i32) -> (i32, i32) {
    %c0_i32 = arith.constant 0 : i32
    %c0_i32_0 = arith.constant 0 : i32
    return %arg0, %c0_i32 : i32, i32
  }
}

</mosaic_0001>

<sc_bundles>
// kernel: kernel.10.cloned.1.call-start
scs
__scs_entry_jumppad:
0x0: {  	(pc) =	sbr.rel $0x88, $3  }
0x1: {  	(tag) =	ssettag $0x0;
	lr =	simm.s32 $0x1  }
0x2: {  	[smem:$0x3F98] =	sst lr;
	_ =	strace $0xD0000000  }
0x3: {  	_ = 	snop  }
0x4: {  	_ = 	snop  }
0x5: {  	_ = 	snop  }
0x6: {  	_ = 	snop  }
0x7: {  	_ = 	snop  }
__scs_overlays_trampoline_lowered:
0x8: {  	[smem:$0x3FA7] =	sst s0  }
0x9: {  	[smem:$0x3FA8] =	sst s1  }
0xa: {  	[smem:$0x3FA9] =	sst s2  }
0xb: {  	[smem:$0x3FAA] =	sst s3  }
0xc: {  	[smem:$0x3FAB] =	sst s4  }
0xd: {  	[smem:$0x3FAC] =	sst s5  }
0xe: {  	[smem:$0x3FAD] =	sst s6  }
0xf: {  	[smem:$0x3FAE] =	sst s7  }
0x10: {  	[smem:$0x3FAF] =	sst s8  }
0x11: {  	[smem:$0x3FB0] =	sst s9;
	s0 =	simm.s32 @!p0 $0x0  }
0x12: {  	s1 =	sld [smem:$0x3F96];
	s0 =	simm.s32 @p0 $0x1  }
0x13: {  	[smem:$0x3FB1] =	sst s0;
	s0 =	simm.s32 @!p1 $0x0  }
0x14: {  	s2 =	sld [smem:$0x3F95];
	s0 =	simm.s32 @p1 $0x1  }
0x15: {  	[smem:$0x3FB2] =	sst s0;
	s0 =	simm.s32 @!p2 $0x0  }
0x16: {  	s3 =	sld [smem:$0x3FDB];
	s0 =	simm.s32 @p2 $0x1  }
0x17: {  	s4 =	simm.s32 $0x1BF5;
	[smem:$0x3FB4] =	sst s0  }
0x18: {  	s0 =	sld [smem:$0x3F97];
	_ =	swait.ge [sflag:s4], $0x0  }
0x19: {  	s7 =	sld [smem:$0x3F98]  }
0x1a: {  	s8 =	sadd.s32 $0xFFFFE003, lr  }
0x1b: {  	s9 =	sadd.s32 $0xFFFFFEF7, lr;
	s5 =	simm.s32 $0xFFFFFFFF;
	p2 =	slt.u32 s8, $0xFFFFF086  }
0x1c: {  	p1 =	slt.u32 s9, $0xF7A;
	s5 =	simm.s32 @!p2 $0x0  }
0x1d: {  	s5 =	simm.s32 @p1 $0x1;
	p0 =	seq.s32 s7, s2  }
0x1e: {  	s7 =	smul.u32 @!p0 $0xF7A, s2;
	p2 =	seq.s32 @!p0 s5, $0x0  }
0x1f: {  	s9 =	smul.u32 $0xF7A, s1;
	s8 =	simm.s32 @!p0 $0x1BF5;
	p2 =	por !p2, p0  }
0x20: {  	[sflag:s8] =	ssyncset.s32 @!p0 $0xFFFFF086;
	s6 =	sadd.s32 @!p0 s3, s7;
	s7 =	simm.s32 @!p0 $0x108  }
0x21: {  	s3 =	sadd.s32 s3, s9;
	s6 =	sadd.s32 @!p0 $0x88, s6;
	s7 =	simm.s32 @p2 $0x1082  }
0x22: {  	[simem:s7], [sflag:s8] =	dma.local @!p0 [hbm:s6], $0xF7A  }
0x23: {  	s9 =	sor.u32 $0xD0000000, s2;
	s6 =	simm.s32 $0x108;
	_ =	swait.ge @!p0 [sflag:s8], $0x0  }
0x24: {  	s3 =	sadd.s32 $0x88, s3;
	s6 =	simm.s32 @!p1 $0x1082;
	[sflag:s4] =	ssyncset.s32 $0xFFFFF086  }
0x25: {  	[simem:s6], [sflag:s4] =	dma.local [hbm:s3], $0xF7A  }
0x26: {  	[smem:$0x3F98] =	sst s1;
	(tag) =	ssettag s2;
	_ =	strace s9  }
0x27: {  	s1 =	sld [smem:$0x3FA8]  }
0x28: {  	s2 =	sld [smem:$0x3FA9]  }
0x29: {  	s4 =	sld [smem:$0x3FAB]  }
0x2a: {  	p0 =	seq.s32 s5, $0x0;
	s5 =	sld [smem:$0x3FAC]  }
0x2b: {  	s6 =	sld [smem:$0x3FAD]  }
0x2c: {  	s7 =	sld [smem:$0x3FAE]  }
0x2d: {  	s3 =	simm.s32 $0x108;
	s8 =	sld [smem:$0x3FAF]  }
0x2e: {  	s3 =	simm.s32 @!p0 $0x1082;
	s9 =	sld [smem:$0x3FB0]  }
0x2f: {  	lr =	sadd.s32 s0, s3;
	s0 =	sld [smem:$0x3FA7]  }
0x30: {  	s3 =	sld [smem:$0x3FAA]  }
0x31: {  	[smem:$0x3FB3] =	sst s10  }
0x32: {  	s10 =	sld [smem:$0x3FB1];
	_ =	sdelay $0x3  }
0x33: {  	p0 =	seq.s32 s10, $0x1;
	s10 =	sld [smem:$0x3FB3];
	_ =	sdelay $0x3  }
0x34: {  	[smem:$0x3FB3] =	sst s10  }
0x35: {  	s10 =	sld [smem:$0x3FB2];
	_ =	sdelay $0x3  }
0x36: {  	p1 =	seq.s32 s10, $0x1;
	s10 =	sld [smem:$0x3FB3];
	_ =	sdelay $0x3  }
0x37: {  	[smem:$0x3FB3] =	sst s10  }
0x38: {  	s10 =	sld [smem:$0x3FB4]  }
0x39: {  	_ = 	snop;
	(pc) =	sbr.ind lr, $3  }
0x3a: {  	_ = 	snop  }
0x3b: {  	_ = 	snop  }
0x3c: {  	p2 =	seq.s32 s10, $0x1;
	s10 =	sld [smem:$0x3FB3]  }
0x3d: {  	_ =	shalt  }
0x3e: {  	_ =	shalt  }
0x3f: {  	_ =	shalt  }
0x40: {  	_ =	shalt  }
0x41: {  	_ =	shalt  }
0x42: {  	_ =	shalt  }
0x43: {  	_ =	shalt  }
0x44: {  	_ =	shalt  }
0x45: {  	_ =	shalt  }
0x46: {  	_ =	shalt  }
0x47: {  	_ =	shalt  }
0x48: {  	_ =	shalt  }
0x49: {  	_ =	shalt  }
0x4a: {  	_ =	shalt  }
0x4b: {  	_ =	shalt  }
0x4c: {  	_ =	shalt  }
0x4d: {  	_ =	shalt  }
0x4e: {  	_ =	shalt  }
0x4f: {  	_ =	shalt  }
0x50: {  	_ =	shalt  }
0x51: {  	_ =	shalt  }
0x52: {  	_ =	shalt  }
0x53: {  	_ =	shalt  }
0x54: {  	_ =	shalt  }
0x55: {  	_ =	shalt  }
0x56: {  	_ =	shalt  }
0x57: {  	_ =	shalt  }
0x58: {  	_ =	shalt  }
0x59: {  	_ =	shalt  }
0x5a: {  	_ =	shalt  }
0x5b: {  	_ =	shalt  }
0x5c: {  	_ =	shalt  }
0x5d: {  	_ =	shalt  }
0x5e: {  	_ =	shalt  }
0x5f: {  	_ =	shalt  }
0x60: {  	_ =	shalt  }
0x61: {  	_ =	shalt  }
0x62: {  	_ =	shalt  }
0x63: {  	_ =	shalt  }
0x64: {  	_ =	shalt  }
0x65: {  	_ =	shalt  }
0x66: {  	_ =	shalt  }
0x67: {  	_ =	shalt  }
0x68: {  	_ =	shalt  }
0x69: {  	_ =	shalt  }
0x6a: {  	_ =	shalt  }
0x6b: {  	_ =	shalt  }
0x6c: {  	_ =	shalt  }
0x6d: {  	_ =	shalt  }
0x6e: {  	_ =	shalt  }
0x6f: {  	_ =	shalt  }
0x70: {  	_ =	shalt  }
0x71: {  	_ =	shalt  }
0x72: {  	_ =	shalt  }
0x73: {  	_ =	shalt  }
0x74: {  	_ =	shalt  }
0x75: {  	_ =	shalt  }
0x76: {  	_ =	shalt  }
0x77: {  	_ =	shalt  }
0x78: {  	_ =	shalt  }
0x79: {  	_ =	shalt  }
0x7a: {  	_ =	shalt  }
0x7b: {  	_ =	shalt  }
0x7c: {  	_ =	shalt  }
0x7d: {  	_ =	shalt  }
0x7e: {  	_ =	shalt  }
0x7f: {  	_ =	shalt  }
0x80: {  	_ =	shalt  }
0x81: {  	_ =	shalt  }
0x82: {  	_ =	shalt  }
0x83: {  	_ =	shalt  }
0x84: {  	_ =	shalt  }
0x85: {  	_ =	shalt  }
0x86: {  	_ =	shalt  }
0x87: {  	_ =	shalt  }
.Lfunc_end0:
.L_simem_size_0:
called_computation_lowered:
.L_overlay_start_0:
0x88: {  	s2 =	sld [smem:$0x3FD9]  }
0x89: {  	s3 =	sld [smem:$0x3FFE];
	_ =	sdelay $0x1  }
0x8a: {  	s1 =	srdreg.scid  }
0x8b: {  	s0 =	sand.u32 $0x1, s1  }
0x8c: {  	s17 =	sshll.u32 s0, $0xA;
	s2 =	sadd.s32 s3, s2  }
0x8d: {  	s2 =	sadd.s32 s2, s17  }
0x8e: {  	[smem:$0x3FBF] =	sst s2  }
0x8f: {  	_ = 	snop  }
0x90: {  	s2 =	sld [smem:$0x3FC9]  }
0x91: {  	s18 =	sld [smem:$0x3FC6];
	(tm) =	ssettm $0x1  }
0x92: {  	s4 =	sld [smem:$0x3FFB];
	_ =	sdelay $0x3  }
0x93: {  	_ =	strace s4  }
0x94: {  	s4 =	sld [smem:$0x3FFC];
	_ =	sdelay $0x3  }
0x95: {  	_ =	strace s4  }
0x96: {  	s4 =	sld [smem:$0x3FFD];
	_ =	sdelay $0x3  }
0x97: {  	_ =	strace s4  }
0x98: {  	_ =	strace $0x8FFFFFFF  }
0x99: {  	s19 =	sld [smem:$0x3FDB];
	_ =	sdelay $0x1  }
0x9a: {  	s5 =	simm.s32 $_scs_section_size  }
0x9b: {  	s6 =	simm.s32 $_size__tile_overlayer_lowered;
	s7 =	simm.s32 $_tile_overlayer_lowered  }
0x9c: {  	s22 =	simm.s32 $0x1BFF;
	s21 =	sshll.u32 s7, $0x1;
	s4 =	sadd.s32 s5, s19  }
0x9d: {  	s8 =	simm.s32 $0x0;
	s20 =	sshll.u32 s6, $0x1;
	s6 =	sadd.s32 s21, s4  }
0x9e: {  	[timem:s8], [sflag:s22] =	dma.local [hbm:s6], s20  }
0x9f: {  	_ =	swait.ge [sflag:s22], s20  }
0xa0: {  	s5 =	ssub.s32 $0x0, s20;
	[sflag:s22] =	ssyncset.done $0x0  }
0xa1: {  	[sflag:s22] =	ssyncadd.s32 s5;
	_ =	sdelay $0x1  }
0xa2: {  	s23 =	simm.s32 $0x1B8B  }
0xa3: {  	_ =	swait.ge [sflag:s23], $0x1  }
0xa4: {  	[sflag:s23] =	ssyncset.done $0x0  }
0xa5: {  	s25 =	simm.s32 $0x1B8E;
	s24 =	sld [smem:$0x3FFE];
	[sflag:s23] =	ssyncadd.s32 $0xFFFFFFFF  }
0xa6: {  	s26 =	simm.s32 $execute0_lowered;
	[smem:$0x3FD2] =	sst s25  }
0xa7: {  	s6 =	sshll.u32 s26, $0x1;
	_ =	strace $0x80000046;
	[dreg:$0x1] =	wrdreg $0xFFFFFFFF  }
0xa8: {  	s28 =	simm.s32 $_size_execute0_lowered;
	s4 =	sadd.s32 s4, s6;
	[dreg:$0x0] =	wrdreg $0x0  }
0xa9: {  	s6 =	sshll.u32 s28, $0x1;
	[dreg:$0x2] =	wrdreg s4  }
0xaa: {  	[dreg:$0x3] =	wrdreg s6  }
0xab: {  	[dreg:$0x4] =	wrdreg $0xC0  }
0xac: {  	_ =	task [dreg:s8], $0x5FFFF  }
0xad: {  	[dreg:$0x1] =	wrdreg $0xFFFFFFFF  }
0xae: {  	[dreg:$0x0] =	wrdreg $0x60  }
0xaf: {  	[dreg:$0x2] =	wrdreg s24  }
0xb0: {  	[dreg:$0x3] =	wrdreg s2  }
0xb1: {  	[dreg:$0x4] =	wrdreg s18  }
0xb2: {  	[dreg:$0x5] =	wrdreg $0xBB000  }
0xb3: {  	[dreg:$0x6] =	wrdreg $0x9  }
0xb4: {  	_ =	task.clear_ibuf [dreg:s8], $0x7FFFF;
	_ =	strace $0x90000046  }
0xb5: {  	s29 =	simm.s32 $0x9;
	_ =	strace $0x80000048  }
0xb6: {  	_ =	swait.ge [sflag:s29], $0x1  }
0xb7: {  	[sflag:s29] =	ssyncadd.s32 $0xFFFFFFFF  }
0xb8: {  	_ =	strace $0x90000048  }
0xb9: {  	_ =	sfence  }
0xba: {  	s30 =	sld [smem:$0x0];
	_ =	sdelay $0x2  }
0xbb: {  	s31 =	sshll.u32 s1, $0xD;
	s1 =	sshrl.u32 s1, $0x2  }
0xbc: {  	s3 =	sand.u32 $0x4000, s31;
	s1 =	sadd.s32 s1, s30  }
0xbd: {  	s0 =	sor.u32 s3, s0;
	s1 =	sshll.u32 s1, $0x11  }
0xbe: {  	s0 =	sor.u32 s1, s0  }
0xbf: {  	s0 =	sadd.s32 $0x8F2B, s0  }
0xc0: {  	[sflag:s0] =	ssyncadd.remote.s32 $0x1  }
0xc1: {  	_ =	sfence.sel $0xFFFF  }
0xc2: {  	[dreg:$0x0] =	wrdreg $0xFFFFFFFF;
	(pc) =	sbr.abs _section_cstart, $3  }
0xc3: {  	[dreg:$0x1] =	wrdreg $0xFFFFFFFF  }
0xc4: {  	_ =	task.clear_ibuf [dreg:s8], $0x2FFFF;
	_ =	strace $0x9FFFFFFF  }
0xc5: {  	(tm) =	ssettm $0x7FFFFFFF  }
tec
execute0_lowered:
.L_overlay_start_1:
0x0: {  	(tag) =	ssettag $0x1  }
0x1: {  	s4 =	rddreg [dreg:$0x0]  }
0x2: {  	s6 =	rddreg [dreg:$0x1]  }
0x3: {  	s2 =	rddreg [dreg:$0x2]  }
0x4: {  	s0 =	srdreg.scid;
	s8 =	rddreg [dreg:$0x3];
	s3 =	simm.s32 $0x0  }
0x5: {  	s15 =	simm.s32 $0x1;
	s16 =	simm.s32 $0x2800;
	s17 =	simm.s32 $0x400  }
0x6: {  	s18 =	simm.s32 $0x1400;
	s19 =	simm.s32 $0x14000;
	s20 =	simm.s32 $0x5000  }
0x7: {  	s21 =	simm.s32 $0x100;
	s22 =	simm.s32 $0x7800;
	s23 =	simm.s32 $0x0  }
0x8: {  	s5 =	sand.u32 $0x1, s0;
	s0 =	stileid.u32;
	[smem:$0x7FF] =	sst s3  }
0x9: {  	s1 =	sshll.u32 s5, $0x4;
	s10 =	smul.u32 $0x500, s0;
	s11 =	sshll.u32 s5, $0x7  }
0xa: {  	s5 =	ssub.s32 $0x2, s5;
	s12 =	sshll.u32 s0, $0x7;
	s13 =	sshrl.u32 s0, $0x3  }
0xb: {  	s29 =	smul.u32 $0x5000, s0;
	s7 =	sor.u32 s0, s1;
	s1 =	rddreg [dreg:$0x4]  }
0xc: {  	_ =	strace $0x80000047;
	s26 =	sshrl.u32 s5, $0x1;
	s13 =	smul.u32 $0x50000, s13  }
0xd: {  	s12 =	sand.u32 $0x380, s12;
	s9 =	smul.u32 $0x500, s7;
	s10 =	sor.u32 s11, s10  }
0xe: {  	s25 =	sshll.u32 s7, $0xB;
	s7 =	sshll.u32 s7, $0x7;
	s14 =	ssub.s32 s5, s26  }
0xf: {  	s31 =	sshrl.u32 s29, $0x2;
	s10 =	sshrl.u32 s10, $0x3;
	s11 =	sadd.s32 s25, s4  }
0x10: {  	s7 =	sand.u32 $0xC00, s7;
	s30 =	sshrl.u32 s13, $0x2;
	s13 =	simm.s32 $0x80  }
0x11: {  	s9 =	sadd.s32 s9, s4;
	s10 =	sadd.s32 s10, s4;
	s28 =	sor.u32 s12, s7  }
0x12: {  	s4 =	sadd.s32 $0x3000, s9;
	s5 =	sshrl.u32 s28, $0x3;
	s9 =	sadd.s32 s30, s8  }
0x13: {  	s8 =	sadd.s32 s31, s8;
	s5 =	sadd.s32 s6, s5;
	s6 =	sadd.s32 $0xDA00, s11  }
0x14: {  	s7 =	sadd.s32 s12, s9;
	s9 =	sadd.s32 $0xD000, s10;
	s10 =	smax.u32 s14, $0x1  }
0x15: {  	v0 =	vimm.f32 $0.0e+00;
	v1 =	vimm.f32 $1.000000000e+00;
	s11 =	simm.s32 $0x2;
	s12 =	simm.s32 $0x7A80;
	s14 =	simm.s32 $0x7B00  }
.LBB2_1:
0x16: {  	[tilespmem:s3], [sflag:$0x2] =	stream.linear.gather [hbm4b:s4+s3], $0x2780, $0x38;
	[tilespmem:$0xE300] =	vst v63  }
0x17: {  	_ =	swait.ge [sflag:s11], $0x2780  }
0x18: {  	[sflag:s11] =	ssyncset.done $0x0  }
0x19: {  	[sflag:s11] =	ssyncadd.s32 $0xFFFFD880  }
0x1a: {  	[tilespmem:s12], [sflag:$0x2] =	stream.linear.gather [hbm4b:s5+s3], $0x80, $0x38;
	[tilespmem:$0xE300] =	vst v63  }
0x1b: {  	_ =	swait.ge [sflag:s11], $0x80  }
0x1c: {  	[sflag:s11] =	ssyncset.done $0x0  }
0x1d: {  	[sflag:s11] =	ssyncadd.s32 $0xFFFFFF80  }
0x1e: {  	[tilespmem:s14], [sflag:$0x1] =	stream.indirect.gather [hbm4b:s2+s13], $0x80, s12, s13, $0xb8;
	[tilespmem:$0xE300] =	vst v63  }
0x1f: {  	_ =	swait.ge [sflag:s15], $0x4000  }
0x20: {  	[sflag:s15] =	ssyncset.done $0x0  }
0x21: {  	[sflag:s15] =	ssyncadd.s32 $0xFFFFC000  }
0x22: {  	[hbm4b:s6+s3] =	stream.linear.scatter [tilespmem:s14], [sflag:$0x2], $0x4000, $0x38;
	[tilespmem:$0xE300] =	vst v63  }
0x23: {  	_ =	swait.ge [sflag:s11], $0x4000  }
0x24: {  	[sflag:s11] =	ssyncset.done $0x0  }
0x25: {  	s24 =	simm.s32 $0x0;
	[sflag:s11] =	ssyncadd.s32 $0xFFFFC000  }
.LBB2_2:
0x26: {  	p0 =	sne.s32 s24, $0x9FC0  }
.Ltmp0:
0x27: {  	_ = 	snop;
	(pc) =	sbr.rel @p0 .LBB2_2-.Ltmp0, $3  }
0x28: {  	_ =	sdelay $0x1  }
0x29: {  	s25 =	sshra.s32 s24, $0x2  }
0x2a: {  	s24 =	sadd.s32 $0x40, s24;
	[tilespmem:s25+$0x2800] =	vst v0  }
0x2b: {  	s24 =	simm.s32 $0x0  }
.LBB2_4:
0x2c: {  	s25 =	sshra.s32 s24, $0x2  }
0x2d: {  	v2 =	vld [tilespmem:s25+$0x0];
	_ =	sdelay $0x7  }
0x2e: {  	[tilespmem:v2+s16+$0x0] =	vst.idx.add.f32.msk $0xffff, v1  }
0x2f: {  	v2 =	vld [tilespmem:s25+$0x10];
	_ =	sdelay $0x7  }
0x30: {  	[tilespmem:v2+s16+$0x0] =	vst.idx.add.f32.msk $0xffff, v1  }
0x31: {  	v2 =	vld [tilespmem:s25+$0x20];
	_ =	sdelay $0x7  }
0x32: {  	[tilespmem:v2+s16+$0x0] =	vst.idx.add.f32.msk $0xffff, v1  }
0x33: {  	v2 =	vld [tilespmem:s25+$0x30];
	_ =	sdelay $0x7  }
0x34: {  	[tilespmem:v2+s16+$0x0] =	vst.idx.add.f32.msk $0xffff, v1  }
0x35: {  	v2 =	vld [tilespmem:s25+$0x40];
	_ =	sdelay $0x7  }
0x36: {  	[tilespmem:v2+s16+$0x0] =	vst.idx.add.f32.msk $0xffff, v1  }
0x37: {  	v2 =	vld [tilespmem:s25+$0x50];
	_ =	sdelay $0x7  }
0x38: {  	[tilespmem:v2+s16+$0x0] =	vst.idx.add.f32.msk $0xffff, v1  }
0x39: {  	v2 =	vld [tilespmem:s25+$0x60];
	_ =	sdelay $0x7  }
0x3a: {  	[tilespmem:v2+s16+$0x0] =	vst.idx.add.f32.msk $0xffff, v1  }
0x3b: {  	v2 =	vld [tilespmem:s25+$0x70];
	_ =	sdelay $0x2  }
0x3c: {  	p0 =	sne.s32 s24, $0x9C00  }
.Ltmp1:
0x3d: {  	_ = 	snop;
	(pc) =	sbr.rel @p0 .LBB2_4-.Ltmp1, $2  }
0x3e: {  	_ =	sdelay $0x2  }
0x3f: {  	s24 =	sadd.s32 $0x200, s24;
	[tilespmem:v2+s16+$0x0] =	vst.idx.add.f32.msk $0xffff, v1  }
0x40: {  	[spmem:s7] =	stream.strided.scatter [tilespmem:s16], [sflag:$0x2], $0x2800, s17, s13, $0x38;
	[tilespmem:$0xE300] =	vst v63  }
0x41: {  	_ =	swait.ge [sflag:s11], $0x2800  }
0x42: {  	[sflag:s11] =	ssyncset.done $0x0  }
0x43: {  	[sflag:s11] =	ssyncadd.s32 $0xFFFFD800  }
0x44: {  	[bflag:$0x0] =	sbarrier.arrive $0xFFFF  }
0x45: {  	[tilespmem:s20], [sflag:$0x2] =	stream.strided.gather [spmem:s8], $0x2800, s19, s18, $0x38;
	[tilespmem:$0xE300] =	vst v63  }
0x46: {  	s24 =	simm.s32 $0x0;
	_ =	swait.ge [sflag:s11], $0x2800  }
0x47: {  	s25 =	sand.u32 $0x70, s24;
	s24 =	sand.u32 $0x1C00, s24;
	[sflag:s11] =	ssyncset.done $0x0  }
0x48: {  	s24 =	sor.u32 s25, s24;
	[sflag:s11] =	ssyncadd.s32 $0xFFFFD800  }
0x49: {  	v2 =	vld [tilespmem:s24+$0x5080]  }
0x4a: {  	v3 =	vld [tilespmem:s24+$0x5000];
	_ =	sdelay $0x1  }
0x4b: {  	v4 =	vld [tilespmem:s24+$0x5100];
	_ =	sdelay $0x1  }
0x4c: {  	v5 =	vld [tilespmem:s24+$0x5180]  }
0x4d: {  	v2 =	vadd.f32 v2, v3  }
0x4e: {  	v3 =	vld [tilespmem:s24+$0x5200]  }
0x4f: {  	v2 =	vadd.f32 v4, v2  }
0x50: {  	v56 =	vld [tilespmem:s24+$0x5280]  }
0x51: {  	v2 =	vadd.f32 v5, v2  }
0x52: {  	v57 =	vld [tilespmem:s24+$0x5300]  }
0x53: {  	v2 =	vadd.f32 v3, v2  }
0x54: {  	v3 =	vld [tilespmem:s24+$0x5380]  }
0x55: {  	v2 =	vadd.f32 v56, v2  }
0x56: {  	v58 =	vld [tilespmem:s24+$0x6400]  }
0x57: {  	v2 =	vadd.f32 v57, v2  }
0x58: {  	v59 =	vld [tilespmem:s24+$0x6480]  }
0x59: {  	v2 =	vadd.f32 v3, v2  }
0x5a: {  	v3 =	vld [tilespmem:s24+$0x6500]  }
0x5b: {  	v2 =	vadd.f32 v58, v2  }
0x5c: {  	v60 =	vld [tilespmem:s24+$0x6580]  }
0x5d: {  	v2 =	vadd.f32 v59, v2  }
0x5e: {  	v61 =	vld [tilespmem:s24+$0x6600]  }
0x5f: {  	v2 =	vadd.f32 v3, v2  }
0x60: {  	v3 =	vld [tilespmem:s24+$0x6680]  }
0x61: {  	v2 =	vadd.f32 v60, v2  }
0x62: {  	v62 =	vld [tilespmem:s24+$0x6700]  }
0x63: {  	v2 =	vadd.f32 v61, v2  }
0x64: {  	v63 =	vld [tilespmem:s24+$0x6780]  }
0x65: {  	v2 =	vadd.f32 v3, v2;
	_ =	sdelay $0x1  }
0x66: {  	v2 =	vadd.f32 v62, v2;
	_ =	sdelay $0x1  }
0x67: {  	s31 =	simm.s32 $0x10;
	s26 =	simm.s32 $0x80;
	v2 =	vadd.f32 v63, v2  }
0x68: {  	s28 =	sand.u32 $0x1C00, s26;
	s25 =	sand.u32 $0x70, s31;
	s24 =	simm.s32 $0x7800  }
0x69: {  	s25 =	sor.u32 s25, s28;
	s28 =	simm.s32 $0x20;
	[tilespmem:s24+$0x0] =	vst v2  }
.LBB2_6:
0x6a: {  	p0 =	sne.s32 s28, $0x270;
	v2 =	vld [tilespmem:s25+$0x5080]  }
0x6b: {  	v3 =	vld [tilespmem:s25+$0x5000];
	_ =	sdelay $0x1  }
0x6c: {  	v4 =	vld [tilespmem:s25+$0x5100];
	_ =	sdelay $0x1  }
0x6d: {  	v5 =	vld [tilespmem:s25+$0x5180]  }
0x6e: {  	v2 =	vadd.f32 v2, v3  }
0x6f: {  	v3 =	vld [tilespmem:s25+$0x5200]  }
0x70: {  	v2 =	vadd.f32 v4, v2  }
0x71: {  	v4 =	vld [tilespmem:s25+$0x5280]  }
0x72: {  	v2 =	vadd.f32 v5, v2  }
0x73: {  	v5 =	vld [tilespmem:s25+$0x5300]  }
0x74: {  	v2 =	vadd.f32 v3, v2  }
0x75: {  	v3 =	vld [tilespmem:s25+$0x5380]  }
0x76: {  	v2 =	vadd.f32 v4, v2  }
0x77: {  	v4 =	vld [tilespmem:s25+$0x6400]  }
0x78: {  	v2 =	vadd.f32 v5, v2  }
0x79: {  	v5 =	vld [tilespmem:s25+$0x6480]  }
0x7a: {  	v2 =	vadd.f32 v3, v2  }
0x7b: {  	v3 =	vld [tilespmem:s25+$0x6500]  }
0x7c: {  	v2 =	vadd.f32 v4, v2  }
0x7d: {  	v4 =	vld [tilespmem:s25+$0x6580]  }
0x7e: {  	v2 =	vadd.f32 v5, v2  }
0x7f: {  	v5 =	vld [tilespmem:s25+$0x6600]  }
0x80: {  	v2 =	vadd.f32 v3, v2  }
0x81: {  	v3 =	vld [tilespmem:s25+$0x6680]  }
0x82: {  	v2 =	vadd.f32 v4, v2  }
0x83: {  	v4 =	vld [tilespmem:s25+$0x6700]  }
0x84: {  	v2 =	vadd.f32 v5, v2  }
0x85: {  	v5 =	vld [tilespmem:s25+$0x6780]  }
0x86: {  	v2 =	vadd.f32 v3, v2;
	_ =	sdelay $0x1  }
.Ltmp2:
0x87: {  	v2 =	vadd.f32 v4, v2;
	(pc) =	sbr.rel @p0 .LBB2_6-.Ltmp2, $4  }
0x88: {  	_ = 	snop  }
0x89: {  	s26 =	sadd.s32 $0x80, s26;
	v2 =	vadd.f32 v5, v2  }
0x8a: {  	s24 =	sadd.s32 $0x10, s24;
	s29 =	sand.u32 $0x1C00, s26;
	s25 =	sand.u32 $0x70, s28  }
0x8b: {  	s28 =	sadd.s32 $0x10, s28;
	s25 =	sor.u32 s25, s29;
	[tilespmem:s24+$0x0] =	vst v2  }
0x8c: {  	v2 =	vld [tilespmem:s25+$0x5080]  }
0x8d: {  	v3 =	vld [tilespmem:s25+$0x5000];
	_ =	sdelay $0x1  }
0x8e: {  	v4 =	vld [tilespmem:s25+$0x5100];
	_ =	sdelay $0x1  }
0x8f: {  	v5 =	vld [tilespmem:s25+$0x5180]  }
0x90: {  	v2 =	vadd.f32 v2, v3  }
0x91: {  	v3 =	vld [tilespmem:s25+$0x5200]  }
0x92: {  	v2 =	vadd.f32 v4, v2  }
0x93: {  	v56 =	vld [tilespmem:s25+$0x5280]  }
0x94: {  	v2 =	vadd.f32 v5, v2  }
0x95: {  	v57 =	vld [tilespmem:s25+$0x5300]  }
0x96: {  	v2 =	vadd.f32 v3, v2  }
0x97: {  	v3 =	vld [tilespmem:s25+$0x5380]  }
0x98: {  	v2 =	vadd.f32 v56, v2  }
0x99: {  	v58 =	vld [tilespmem:s25+$0x6400]  }
0x9a: {  	v2 =	vadd.f32 v57, v2  }
0x9b: {  	v59 =	vld [tilespmem:s25+$0x6480]  }
0x9c: {  	v2 =	vadd.f32 v3, v2  }
0x9d: {  	v3 =	vld [tilespmem:s25+$0x6500]  }
0x9e: {  	v2 =	vadd.f32 v58, v2  }
0x9f: {  	v60 =	vld [tilespmem:s25+$0x6580]  }
0xa0: {  	v2 =	vadd.f32 v59, v2  }
0xa1: {  	v61 =	vld [tilespmem:s25+$0x6600]  }
0xa2: {  	v2 =	vadd.f32 v3, v2  }
0xa3: {  	v3 =	vld [tilespmem:s25+$0x6680]  }
0xa4: {  	v2 =	vadd.f32 v60, v2  }
0xa5: {  	v62 =	vld [tilespmem:s25+$0x6700]  }
0xa6: {  	v2 =	vadd.f32 v61, v2  }
0xa7: {  	v63 =	vld [tilespmem:s25+$0x6780]  }
0xa8: {  	v2 =	vadd.f32 v3, v2;
	_ =	sdelay $0x1  }
0xa9: {  	v2 =	vadd.f32 v62, v2;
	_ =	sdelay $0x1  }
0xaa: {  	s23 =	sadd.s32 $0x1, s23;
	v2 =	vadd.f32 v63, v2  }
0xab: {  	s24 =	sadd.s32 $0x10, s24;
	p0 =	sne.s32 s23, s10  }
.Ltmp3:
0xac: {  	[tilespmem:s24+$0x0] =	vst v2;
	(pc) =	sbr.rel @p0 .LBB2_1-.Ltmp3, $4  }
0xad: {  	[hbm4b:s9+s13] =	stream.strided.scatter [tilespmem:s22], [sflag:$0x2], $0x280, s21, s13, $0x38;
	[tilespmem:$0xE300] =	vst v63  }
0xae: {  	_ =	swait.ge [sflag:s11], $0x280  }
0xaf: {  	[sflag:s11] =	ssyncset.done $0x0  }
0xb0: {  	[sflag:s11] =	ssyncadd.s32 $0xFFFFFD80  }
0xb1: {  	_ =	sfence.sel $0x180000  }
0xb2: {  	[bflag:$0x0] =	sbarrier.arrive $0xFFFF  }
0xb3: {  	p0 =	sne.s32 s0, $0x0;
	_ =	strace $0x90000047  }
0xb4: {  	s0 =	sadd.s32 @!p0 $0x100000, s1;
	[bflag:$0x2] =	sbarrier.arrive $0xFFFF  }
0xb5: {  	[sflag:s0] =	ssyncadd.tile.s32 @!p0 $0x1;
	_ =	shalt  }
.Lfunc_end2:
_tile_overlayer_lowered:
.L_overlay_start_2:
0xb6: {  	(tag) =	ssettag $0x2  }
0xb7: {  	s0 =	rddreg [dreg:$0x0];
	s2 =	stileid.u32  }
0xb8: {  	s1 =	rddreg [dreg:$0x1];
	p0 =	sne.s32 s2, $0x0  }
0xb9: {  	s3 =	rddreg [dreg:$0x2];
	[bflag:$0x3] =	sbarrier.arrive $0xFFFF;
	s2 =	simm.s32 @!p0 $0x1C02  }
0xba: {  	[timem:s3], [sflag:s2] =	dma.local @!p0 [hbm:s0], s1  }
0xbb: {  	s0 =	simm.s32 @!p0 $0x2  }
0xbc: {  	_ =	swait.ge @!p0 [sflag:s0], s1  }
0xbd: {  	s1 =	ssub.s32 @!p0 $0x0, s1;
	[sflag:s0] =	ssyncset.done @!p0 $0x0  }
0xbe: {  	[sflag:s0] =	ssyncadd.s32 @!p0 s1  }
0xbf: {  	[bflag:$0x3] =	sbarrier.arrive $0xFFFF  }
0xc0: {  	_ =	shalt  }

// kernel: kernel.13.cloned.1.call-start
scs
__scs_entry_jumppad:
0x0: {  	(pc) =	sbr.rel $0x88, $3  }
0x1: {  	(tag) =	ssettag $0x0;
	lr =	simm.s32 $0x1  }
0x2: {  	[smem:$0x3F98] =	sst lr;
	_ =	strace $0xD0000000  }
0x3: {  	_ = 	snop  }
0x4: {  	_ = 	snop  }
0x5: {  	_ = 	snop  }
0x6: {  	_ = 	snop  }
0x7: {  	_ = 	snop  }
__scs_overlays_trampoline_lowered:
0x8: {  	[smem:$0x3FA7] =	sst s0  }
0x9: {  	[smem:$0x3FA8] =	sst s1  }
0xa: {  	[smem:$0x3FA9] =	sst s2  }
0xb: {  	[smem:$0x3FAA] =	sst s3  }
0xc: {  	[smem:$0x3FAB] =	sst s4  }
0xd: {  	[smem:$0x3FAC] =	sst s5  }
0xe: {  	[smem:$0x3FAD] =	sst s6  }
0xf: {  	[smem:$0x3FAE] =	sst s7  }
0x10: {  	[smem:$0x3FAF] =	sst s8  }
0x11: {  	[smem:$0x3FB0] =	sst s9;
	s0 =	simm.s32 @!p0 $0x0  }
0x12: {  	s1 =	sld [smem:$0x3F96];
	s0 =	simm.s32 @p0 $0x1  }
0x13: {  	[smem:$0x3FB1] =	sst s0;
	s0 =	simm.s32 @!p1 $0x0  }
0x14: {  	s2 =	sld [smem:$0x3F95];
	s0 =	simm.s32 @p1 $0x1  }
0x15: {  	[smem:$0x3FB2] =	sst s0;
	s0 =	simm.s32 @!p2 $0x0  }
0x16: {  	s3 =	sld [smem:$0x3FDB];
	s0 =	simm.s32 @p2 $0x1  }
0x17: {  	s4 =	simm.s32 $0x1BF5;
	[smem:$0x3FB4] =	sst s0  }
0x18: {  	s0 =	sld [smem:$0x3F97];
	_ =	swait.ge [sflag:s4], $0x0  }
0x19: {  	s7 =	sld [smem:$0x3F98]  }
0x1a: {  	s8 =	sadd.s32 $0xFFFFE003, lr  }
0x1b: {  	s9 =	sadd.s32 $0xFFFFFEF7, lr;
	s5 =	simm.s32 $0xFFFFFFFF;
	p2 =	slt.u32 s8, $0xFFFFF086  }
0x1c: {  	p1 =	slt.u32 s9, $0xF7A;
	s5 =	simm.s32 @!p2 $0x0  }
0x1d: {  	s5 =	simm.s32 @p1 $0x1;
	p0 =	seq.s32 s7, s2  }
0x1e: {  	s7 =	smul.u32 @!p0 $0xF7A, s2;
	p2 =	seq.s32 @!p0 s5, $0x0  }
0x1f: {  	s9 =	smul.u32 $0xF7A, s1;
	s8 =	simm.s32 @!p0 $0x1BF5;
	p2 =	por !p2, p0  }
0x20: {  	[sflag:s8] =	ssyncset.s32 @!p0 $0xFFFFF086;
	s6 =	sadd.s32 @!p0 s3, s7;
	s7 =	simm.s32 @!p0 $0x108  }
0x21: {  	s3 =	sadd.s32 s3, s9;
	s6 =	sadd.s32 @!p0 $0x88, s6;
	s7 =	simm.s32 @p2 $0x1082  }
0x22: {  	[simem:s7], [sflag:s8] =	dma.local @!p0 [hbm:s6], $0xF7A  }
0x23: {  	s9 =	sor.u32 $0xD0000000, s2;
	s6 =	simm.s32 $0x108;
	_ =	swait.ge @!p0 [sflag:s8], $0x0  }
0x24: {  	s3 =	sadd.s32 $0x88, s3;
	s6 =	simm.s32 @!p1 $0x1082;
	[sflag:s4] =	ssyncset.s32 $0xFFFFF086  }
0x25: {  	[simem:s6], [sflag:s4] =	dma.local [hbm:s3], $0xF7A  }
0x26: {  	[smem:$0x3F98] =	sst s1;
	(tag) =	ssettag s2;
	_ =	strace s9  }
0x27: {  	s1 =	sld [smem:$0x3FA8]  }
0x28: {  	s2 =	sld [smem:$0x3FA9]  }
0x29: {  	s4 =	sld [smem:$0x3FAB]  }
0x2a: {  	p0 =	seq.s32 s5, $0x0;
	s5 =	sld [smem:$0x3FAC]  }
0x2b: {  	s6 =	sld [smem:$0x3FAD]  }
0x2c: {  	s7 =	sld [smem:$0x3FAE]  }
0x2d: {  	s3 =	simm.s32 $0x108;
	s8 =	sld [smem:$0x3FAF]  }
0x2e: {  	s3 =	simm.s32 @!p0 $0x1082;
	s9 =	sld [smem:$0x3FB0]  }
0x2f: {  	lr =	sadd.s32 s0, s3;
	s0 =	sld [smem:$0x3FA7]  }
0x30: {  	s3 =	sld [smem:$0x3FAA]  }
0x31: {  	[smem:$0x3FB3] =	sst s10  }
0x32: {  	s10 =	sld [smem:$0x3FB1];
	_ =	sdelay $0x3  }
0x33: {  	p0 =	seq.s32 s10, $0x1;
	s10 =	sld [smem:$0x3FB3];
	_ =	sdelay $0x3  }
0x34: {  	[smem:$0x3FB3] =	sst s10  }
0x35: {  	s10 =	sld [smem:$0x3FB2];
	_ =	sdelay $0x3  }
0x36: {  	p1 =	seq.s32 s10, $0x1;
	s10 =	sld [smem:$0x3FB3];
	_ =	sdelay $0x3  }
0x37: {  	[smem:$0x3FB3] =	sst s10  }
0x38: {  	s10 =	sld [smem:$0x3FB4]  }
0x39: {  	_ = 	snop;
	(pc) =	sbr.ind lr, $3  }
0x3a: {  	_ = 	snop  }
0x3b: {  	_ = 	snop  }
0x3c: {  	p2 =	seq.s32 s10, $0x1;
	s10 =	sld [smem:$0x3FB3]  }
0x3d: {  	_ =	shalt  }
0x3e: {  	_ =	shalt  }
0x3f: {  	_ =	shalt  }
0x40: {  	_ =	shalt  }
0x41: {  	_ =	shalt  }
0x42: {  	_ =	shalt  }
0x43: {  	_ =	shalt  }
0x44: {  	_ =	shalt  }
0x45: {  	_ =	shalt  }
0x46: {  	_ =	shalt  }
0x47: {  	_ =	shalt  }
0x48: {  	_ =	shalt  }
0x49: {  	_ =	shalt  }
0x4a: {  	_ =	shalt  }
0x4b: {  	_ =	shalt  }
0x4c: {  	_ =	shalt  }
0x4d: {  	_ =	shalt  }
0x4e: {  	_ =	shalt  }
0x4f: {  	_ =	shalt  }
0x50: {  	_ =	shalt  }
0x51: {  	_ =	shalt  }
0x52: {  	_ =	shalt  }
0x53: {  	_ =	shalt  }
0x54: {  	_ =	shalt  }
0x55: {  	_ =	shalt  }
0x56: {  	_ =	shalt  }
0x57: {  	_ =	shalt  }
0x58: {  	_ =	shalt  }
0x59: {  	_ =	shalt  }
0x5a: {  	_ =	shalt  }
0x5b: {  	_ =	shalt  }
0x5c: {  	_ =	shalt  }
0x5d: {  	_ =	shalt  }
0x5e: {  	_ =	shalt  }
0x5f: {  	_ =	shalt  }
0x60: {  	_ =	shalt  }
0x61: {  	_ =	shalt  }
0x62: {  	_ =	shalt  }
0x63: {  	_ =	shalt  }
0x64: {  	_ =	shalt  }
0x65: {  	_ =	shalt  }
0x66: {  	_ =	shalt  }
0x67: {  	_ =	shalt  }
0x68: {  	_ =	shalt  }
0x69: {  	_ =	shalt  }
0x6a: {  	_ =	shalt  }
0x6b: {  	_ =	shalt  }
0x6c: {  	_ =	shalt  }
0x6d: {  	_ =	shalt  }
0x6e: {  	_ =	shalt  }
0x6f: {  	_ =	shalt  }
0x70: {  	_ =	shalt  }
0x71: {  	_ =	shalt  }
0x72: {  	_ =	shalt  }
0x73: {  	_ =	shalt  }
0x74: {  	_ =	shalt  }
0x75: {  	_ =	shalt  }
0x76: {  	_ =	shalt  }
0x77: {  	_ =	shalt  }
0x78: {  	_ =	shalt  }
0x79: {  	_ =	shalt  }
0x7a: {  	_ =	shalt  }
0x7b: {  	_ =	shalt  }
0x7c: {  	_ =	shalt  }
0x7d: {  	_ =	shalt  }
0x7e: {  	_ =	shalt  }
0x7f: {  	_ =	shalt  }
0x80: {  	_ =	shalt  }
0x81: {  	_ =	shalt  }
0x82: {  	_ =	shalt  }
0x83: {  	_ =	shalt  }
0x84: {  	_ =	shalt  }
0x85: {  	_ =	shalt  }
0x86: {  	_ =	shalt  }
0x87: {  	_ =	shalt  }
.Lfunc_end0:
.L_simem_size_0:
called_computation.1_lowered:
.L_overlay_start_0:
0x88: {  	s2 =	sld [smem:$0x3FD9]  }
0x89: {  	s3 =	sld [smem:$0x3FFE];
	_ =	sdelay $0x1  }
0x8a: {  	s1 =	srdreg.scid  }
0x8b: {  	s0 =	sand.u32 $0x1, s1  }
0x8c: {  	s16 =	sshll.u32 s0, $0xA;
	s2 =	sadd.s32 s3, s2  }
0x8d: {  	s2 =	sadd.s32 s2, s16  }
0x8e: {  	[smem:$0x3FBF] =	sst s2  }
0x8f: {  	_ = 	snop  }
0x90: {  	(tm) =	ssettm $0x1  }
0x91: {  	s17 =	sld [smem:$0x3FFB];
	_ =	sdelay $0x3  }
0x92: {  	_ =	strace s17  }
0x93: {  	s2 =	sld [smem:$0x3FFC];
	_ =	sdelay $0x3  }
0x94: {  	_ =	strace s2  }
0x95: {  	s2 =	sld [smem:$0x3FFD];
	_ =	sdelay $0x3  }
0x96: {  	_ =	strace s2  }
0x97: {  	_ =	strace $0x8FFFFFFF  }
0x98: {  	s18 =	sld [smem:$0x3FDB];
	_ =	sdelay $0x1  }
0x99: {  	s19 =	simm.s32 $_scs_section_size  }
0x9a: {  	s4 =	simm.s32 $_size__tile_overlayer_lowered;
	s5 =	simm.s32 $_tile_overlayer_lowered  }
0x9b: {  	s22 =	simm.s32 $0x1BFF;
	s21 =	sshll.u32 s5, $0x1;
	s2 =	sadd.s32 s19, s18  }
0x9c: {  	s6 =	simm.s32 $0x0;
	s20 =	sshll.u32 s4, $0x1;
	s4 =	sadd.s32 s21, s2  }
0x9d: {  	[timem:s6], [sflag:s22] =	dma.local [hbm:s4], s20  }
0x9e: {  	_ =	swait.ge [sflag:s22], s20  }
0x9f: {  	s3 =	ssub.s32 $0x0, s20;
	[sflag:s22] =	ssyncset.done $0x0  }
0xa0: {  	[sflag:s22] =	ssyncadd.s32 s3;
	_ =	sdelay $0x1  }
0xa1: {  	s23 =	simm.s32 $0x1B8B  }
0xa2: {  	_ =	swait.ge [sflag:s23], $0x1  }
0xa3: {  	[sflag:s23] =	ssyncset.done $0x0  }
0xa4: {  	s25 =	simm.s32 $0x1B8E;
	s24 =	sld [smem:$0x3FFE];
	[sflag:s23] =	ssyncadd.s32 $0xFFFFFFFF  }
0xa5: {  	s26 =	simm.s32 $execute0_lowered;
	[smem:$0x3FD2] =	sst s25  }
0xa6: {  	s4 =	sshll.u32 s26, $0x1;
	_ =	strace $0x80000049;
	[dreg:$0x1] =	wrdreg $0xFFFFFFFF  }
0xa7: {  	s28 =	simm.s32 $_size_execute0_lowered;
	s2 =	sadd.s32 s2, s4;
	[dreg:$0x0] =	wrdreg $0x0  }
0xa8: {  	s4 =	sshll.u32 s28, $0x1;
	[dreg:$0x2] =	wrdreg s2  }
0xa9: {  	[dreg:$0x3] =	wrdreg s4  }
0xaa: {  	[dreg:$0x4] =	wrdreg $0xC0  }
0xab: {  	_ =	task [dreg:s6], $0x5FFFF  }
0xac: {  	[dreg:$0x1] =	wrdreg $0xFFFFFFFF  }
0xad: {  	[dreg:$0x0] =	wrdreg $0x60  }
0xae: {  	[dreg:$0x2] =	wrdreg s24  }
0xaf: {  	[dreg:$0x3] =	wrdreg $0x90000  }
0xb0: {  	[dreg:$0x4] =	wrdreg $0x9  }
0xb1: {  	_ =	task.clear_ibuf [dreg:s6], $0x5FFFF;
	_ =	strace $0x90000049  }
0xb2: {  	s29 =	simm.s32 $0x9;
	_ =	strace $0x8000004B  }
0xb3: {  	_ =	swait.ge [sflag:s29], $0x1  }
0xb4: {  	[sflag:s29] =	ssyncadd.s32 $0xFFFFFFFF  }
0xb5: {  	_ =	strace $0x9000004B  }
0xb6: {  	_ =	sfence  }
0xb7: {  	s30 =	sld [smem:$0x0];
	_ =	sdelay $0x2  }
0xb8: {  	s31 =	sshll.u32 s1, $0xD;
	s1 =	sshrl.u32 s1, $0x2  }
0xb9: {  	s3 =	sand.u32 $0x4000, s31;
	s1 =	sadd.s32 s1, s30  }
0xba: {  	s0 =	sor.u32 s3, s0;
	s1 =	sshll.u32 s1, $0x11  }
0xbb: {  	s0 =	sor.u32 s1, s0  }
0xbc: {  	s0 =	sadd.s32 $0x8F2B, s0  }
0xbd: {  	[sflag:s0] =	ssyncadd.remote.s32 $0x1  }
0xbe: {  	_ =	sfence.sel $0xFFFF  }
0xbf: {  	[dreg:$0x0] =	wrdreg $0xFFFFFFFF;
	(pc) =	sbr.abs _section_cstart, $3  }
0xc0: {  	[dreg:$0x1] =	wrdreg $0xFFFFFFFF  }
0xc1: {  	_ =	task.clear_ibuf [dreg:s6], $0x2FFFF;
	_ =	strace $0x9FFFFFFF  }
0xc2: {  	(tm) =	ssettm $0x7FFFFFFF  }
0xc3: {  	_ =	shalt  }
tec
execute0_lowered:
.L_overlay_start_1:
0x0: {  	(tag) =	ssettag $0x1  }
0x1: {  	s0 =	srdreg.scid;
	s6 =	rddreg [dreg:$0x0]  }
0x2: {  	s2 =	rddreg [dreg:$0x1];
	s3 =	simm.s32 $0x0;
	s14 =	simm.s32 $0x5000  }
0x3: {  	s15 =	simm.s32 $0x2;
	s16 =	simm.s32 $0x2800;
	s5 =	sand.u32 $0x1, s0  }
0x4: {  	s17 =	simm.s32 $0x80;
	s0 =	stileid.u32;
	s7 =	smul.u32 $0x140000, s5  }
0x5: {  	s18 =	simm.s32 $0x1;
	[smem:$0x7FF] =	sst s3;
	s8 =	smul.u32 $0x14000, s0  }
0x6: {  	s1 =	sshll.u32 s5, $0x4;
	s9 =	smul.u32 $0x50000, s0;
	s29 =	ssub.s32 $0x2, s5  }
0x7: {  	s19 =	sshll.u32 s0, $0x6;
	s1 =	sor.u32 s0, s1;
	s31 =	sshrl.u32 s29, $0x1  }
0x8: {  	s19 =	sor.u32 $0x1C02, s19;
	s4 =	smul.u32 $0x500, s1;
	s1 =	rddreg [dreg:$0x2]  }
0x9: {  	_ =	strace $0x8000004A;
	s7 =	sadd.s32 s8, s7;
	s30 =	sshrl.u32 s9, $0x2  }
0xa: {  	s13 =	ssub.s32 s29, s31;
	s7 =	sshrl.u32 s7, $0x3;
	s5 =	sadd.s32 s30, s2  }
0xb: {  	s13 =	smax.u32 s13, $0x1;
	s11 =	sadd.s32 s4, s6;
	s4 =	sadd.s32 $0x77A00, s6  }
0xc: {  	s12 =	sadd.s32 s7, s6;
	s6 =	sadd.s32 $0x4000, s5;
	s7 =	sadd.s32 $0x8000, s5  }
0xd: {  	s8 =	sadd.s32 $0xC000, s5;
	s9 =	sadd.s32 $0x10000, s5;
	s20 =	sshrl.u32 s5, $0x3  }
0xe: {  	v0 =	vimm.f32 $0.0e+00;
	s10 =	sadd.s32 $0x1DA00, s11;
	s11 =	sadd.s32 $0x3000, s11;
	s12 =	sadd.s32 $0x9FA00, s12  }
.LBB2_1:
0xf: {  	s21 =	simm.s32 $0x0;
	s22 =	simm.s32 $0x200  }
.LBB2_2:
0x10: {  	p0 =	sne.s32 s22, $0xFE00;
	[tilespmem:s21+$0x5070] =	vst v0  }
0x11: {  	[tilespmem:s21+$0x5000] =	vst v0  }
0x12: {  	[tilespmem:s21+$0x5010] =	vst v0  }
.Ltmp0:
0x13: {  	[tilespmem:s21+$0x5020] =	vst v0;
	(pc) =	sbr.rel @p0 .LBB2_2-.Ltmp0, $4  }
0x14: {  	[tilespmem:s21+$0x5030] =	vst v0  }
0x15: {  	[tilespmem:s21+$0x5040] =	vst v0  }
0x16: {  	[tilespmem:s21+$0x5050] =	vst v0  }
0x17: {  	[tilespmem:s21+$0x5060] =	vst v0;
	s21 =	sshra.s32 s22, $0x2;
	s22 =	sadd.s32 $0x200, s22  }
0x18: {  	[tilespmem:s21+$0x5070] =	vst v0  }
0x19: {  	[tilespmem:s21+$0x5000] =	vst v0  }
0x1a: {  	[tilespmem:s21+$0x5010] =	vst v0  }
0x1b: {  	[tilespmem:s21+$0x5020] =	vst v0  }
0x1c: {  	[tilespmem:s21+$0x5030] =	vst v0  }
0x1d: {  	[tilespmem:s21+$0x5040] =	vst v0  }
0x1e: {  	[tilespmem:s21+$0x5050] =	vst v0  }
0x1f: {  	[tilespmem:s21+$0x5060] =	vst v0  }
0x20: {  	[spmem:s5] =	stream.linear.scatter [tilespmem:s14], [sflag:$0x2], $0x4000, $0x38;
	[tilespmem:$0x1D000] =	vst v63  }
0x21: {  	_ =	swait.ge [sflag:s15], $0x4000  }
0x22: {  	[sflag:s15] =	ssyncset.done $0x0  }
0x23: {  	[sflag:s15] =	ssyncadd.s32 $0xFFFFC000  }
0x24: {  	[spmem:s6] =	stream.linear.scatter [tilespmem:s14], [sflag:$0x2], $0x4000, $0x38;
	[tilespmem:$0x1D000] =	vst v63  }
0x25: {  	_ =	swait.ge [sflag:s15], $0x4000  }
0x26: {  	[sflag:s15] =	ssyncset.done $0x0  }
0x27: {  	[sflag:s15] =	ssyncadd.s32 $0xFFFFC000  }
0x28: {  	[spmem:s7] =	stream.linear.scatter [tilespmem:s14], [sflag:$0x2], $0x4000, $0x38;
	[tilespmem:$0x1D000] =	vst v63  }
0x29: {  	_ =	swait.ge [sflag:s15], $0x4000  }
0x2a: {  	[sflag:s15] =	ssyncset.done $0x0  }
0x2b: {  	[sflag:s15] =	ssyncadd.s32 $0xFFFFC000  }
0x2c: {  	[spmem:s8] =	stream.linear.scatter [tilespmem:s14], [sflag:$0x2], $0x4000, $0x38;
	[tilespmem:$0x1D000] =	vst v63  }
0x2d: {  	_ =	swait.ge [sflag:s15], $0x4000  }
0x2e: {  	[sflag:s15] =	ssyncset.done $0x0  }
0x2f: {  	[sflag:s15] =	ssyncadd.s32 $0xFFFFC000  }
0x30: {  	[spmem:s9] =	stream.linear.scatter [tilespmem:s14], [sflag:$0x2], $0x4000, $0x38;
	[tilespmem:$0x1D000] =	vst v63  }
0x31: {  	_ =	swait.ge [sflag:s15], $0x4000  }
0x32: {  	[sflag:s15] =	ssyncset.done $0x0  }
0x33: {  	[sflag:s15] =	ssyncadd.s32 $0xFFFFC000  }
0x34: {  	s29 =	simm.s32 $0x0;
	[bflag:$0x0] =	sbarrier.arrive $0xFFFF  }
0x35: {  	[tilespmem:s29], [sflag:$0x2] =	stream.linear.gather [hbm4b:s10+s29], $0x2780, $0x38;
	[tilespmem:$0x1D000] =	vst v63  }
0x36: {  	_ =	swait.ge [sflag:s15], $0x2780  }
0x37: {  	[sflag:s15] =	ssyncset.done $0x0  }
0x38: {  	[sflag:s15] =	ssyncadd.s32 $0xFFFFD880  }
0x39: {  	[tilespmem:s16], [sflag:$0x2] =	stream.linear.gather [hbm4b:s11+s29], $0x2780, $0x38;
	[tilespmem:$0x1D000] =	vst v63  }
0x3a: {  	_ =	swait.ge [sflag:s15], $0x2780  }
0x3b: {  	[sflag:s15] =	ssyncset.done $0x0  }
0x3c: {  	s30 =	simm.s32 $0x0;
	[sflag:s15] =	ssyncadd.s32 $0xFFFFD880  }
0x3d: {  	[tilespmem:s14], [sflag:$0x1] =	stream.indirect.gather [hbm4b:s4+s17], $0x80, s30, s17, $0xb8;
	[tilespmem:$0x1D000] =	vst v63  }
0x3e: {  	_ =	swait.ge [sflag:s18], $0x4000  }
0x3f: {  	[sflag:s18] =	ssyncset.done $0x0  }
0x40: {  	s31 =	simm.s32 $0x2800;
	[sflag:s18] =	ssyncadd.s32 $0xFFFFC000  }
0x41: {  	[spmem:s2] =	stream.indirect.scatter.add.f32 [tilespmem:s14], [sflag:$0x2], $0x80, s31, s17, $0xb8;
	[tilespmem:$0x1D000] =	vst v63  }
0x42: {  	_ =	swait.ge [sflag:s15], $0x4000  }
0x43: {  	s21 =	simm.s32 $0x200;
	s22 =	simm.s32 $0x400;
	[sflag:s15] =	ssyncset.done $0x0  }
.LBB2_4:
0x44: {  	s23 =	sshra.s32 s21, $0x2  }
0x45: {  	[sflag:s15] =	ssyncadd.s32 $0xFFFFC000;
	s21 =	smov.u32 s22;
	s24 =	sadd.s32 $0x200, s22  }
0x46: {  	[tilespmem:s14], [sflag:$0x1] =	stream.indirect.gather [hbm4b:s4+s17], $0x80, s23, s17, $0xb8;
	[tilespmem:$0x1D000] =	vst v63  }
0x47: {  	p0 =	sne.s32 s22, $0x9C00;
	_ =	swait.ge [sflag:s18], $0x4000  }
.Ltmp1:
0x48: {  	[sflag:s18] =	ssyncset.done $0x0;
	(pc) =	sbr.rel @p0 .LBB2_4-.Ltmp1, $4  }
0x49: {  	s22 =	sadd.s32 $0x2800, s23;
	[sflag:s18] =	ssyncadd.s32 $0xFFFFC000  }
0x4a: {  	[spmem:s2] =	stream.indirect.scatter.add.f32 [tilespmem:s14], [sflag:$0x2], $0x80, s22, s17, $0xb8;
	[tilespmem:$0x1D000] =	vst v63  }
0x4b: {  	_ =	swait.ge [sflag:s15], $0x4000  }
0x4c: {  	s22 =	smov.u32 s24;
	[sflag:s15] =	ssyncset.done $0x0  }
0x4d: {  	s21 =	sshra.s32 s21, $0x2;
	[sflag:s15] =	ssyncadd.s32 $0xFFFFC000  }
0x4e: {  	[tilespmem:s14], [sflag:$0x1] =	stream.indirect.gather [hbm4b:s4+s17], $0x80, s21, s17, $0xb8;
	[tilespmem:$0x1D000] =	vst v63  }
0x4f: {  	_ =	swait.ge [sflag:s18], $0x4000  }
0x50: {  	[sflag:s18] =	ssyncset.done $0x0  }
0x51: {  	s21 =	sadd.s32 $0x2800, s21;
	[sflag:s18] =	ssyncadd.s32 $0xFFFFC000  }
0x52: {  	[spmem:s2] =	stream.indirect.scatter.add.f32 [tilespmem:s14], [sflag:$0x2], $0x80, s21, s17, $0xb8;
	[tilespmem:$0x1D000] =	vst v63  }
0x53: {  	_ =	swait.ge [sflag:s15], $0x4000  }
0x54: {  	s3 =	sadd.s32 $0x1, s3;
	[sflag:s15] =	ssyncset.done $0x0  }
0x55: {  	p0 =	sne.s32 s3, s13;
	[sflag:s15] =	ssyncadd.s32 $0xFFFFC000  }
.Ltmp2:
0x56: {  	[bflag:$0x0] =	sbarrier.arrive $0xFFFF;
	(pc) =	sbr.rel @p0 .LBB2_1-.Ltmp2, $4  }
0x57: {  	[hbm:s12], [sflag:s19] =	dma.local [spmem:s20], $0x2800  }
0x58: {  	_ =	swait.ge [sflag:s15], $0x2800  }
0x59: {  	[sflag:s15] =	ssyncset.done $0x0  }
0x5a: {  	[sflag:s15] =	ssyncadd.s32 $0xFFFFD800  }
0x5b: {  	_ =	sfence.sel $0x180000  }
0x5c: {  	[bflag:$0x0] =	sbarrier.arrive $0xFFFF  }
0x5d: {  	p0 =	sne.s32 s0, $0x0;
	_ =	strace $0x9000004A  }
0x5e: {  	s0 =	sadd.s32 @!p0 $0x100000, s1;
	[bflag:$0x2] =	sbarrier.arrive $0xFFFF  }
0x5f: {  	[sflag:s0] =	ssyncadd.tile.s32 @!p0 $0x1;
	_ =	shalt  }
.Lfunc_end2:
_tile_overlayer_lowered:
.L_overlay_start_2:
0x60: {  	(tag) =	ssettag $0x2  }
0x61: {  	s0 =	rddreg [dreg:$0x0];
	s2 =	stileid.u32  }
0x62: {  	s1 =	rddreg [dreg:$0x1];
	p0 =	sne.s32 s2, $0x0  }
0x63: {  	s3 =	rddreg [dreg:$0x2];
	[bflag:$0x3] =	sbarrier.arrive $0xFFFF;
	s2 =	simm.s32 @!p0 $0x1C02  }
0x64: {  	[timem:s3], [sflag:s2] =	dma.local @!p0 [hbm:s0], s1  }
0x65: {  	s0 =	simm.s32 @!p0 $0x2  }
0x66: {  	_ =	swait.ge @!p0 [sflag:s0], s1  }
0x67: {  	s1 =	ssub.s32 @!p0 $0x0, s1;
	[sflag:s0] =	ssyncset.done @!p0 $0x0  }
0x68: {  	[sflag:s0] =	ssyncadd.s32 @!p0 s1  }
0x69: {  	[bflag:$0x3] =	sbarrier.arrive $0xFFFF  }
0x6a: {  	_ =	shalt  }

// kernel: kernel.16.cloned.1.call-start
scs
__scs_entry_jumppad:
0x0: {  	(pc) =	sbr.rel $0x88, $3  }
0x1: {  	(tag) =	ssettag $0x0;
	lr =	simm.s32 $0x1  }
0x2: {  	[smem:$0x3F98] =	sst lr;
	_ =	strace $0xD0000000  }
0x3: {  	_ = 	snop  }
0x4: {  	_ = 	snop  }
0x5: {  	_ = 	snop  }
0x6: {  	_ = 	snop  }
0x7: {  	_ = 	snop  }
__scs_overlays_trampoline_lowered:
0x8: {  	[smem:$0x3FA7] =	sst s0  }
0x9: {  	[smem:$0x3FA8] =	sst s1  }
0xa: {  	[smem:$0x3FA9] =	sst s2  }
0xb: {  	[smem:$0x3FAA] =	sst s3  }
0xc: {  	[smem:$0x3FAB] =	sst s4  }
0xd: {  	[smem:$0x3FAC] =	sst s5  }
0xe: {  	[smem:$0x3FAD] =	sst s6  }
0xf: {  	[smem:$0x3FAE] =	sst s7  }
0x10: {  	[smem:$0x3FAF] =	sst s8  }
0x11: {  	[smem:$0x3FB0] =	sst s9;
	s0 =	simm.s32 @!p0 $0x0  }
0x12: {  	s1 =	sld [smem:$0x3F96];
	s0 =	simm.s32 @p0 $0x1  }
0x13: {  	[smem:$0x3FB1] =	sst s0;
	s0 =	simm.s32 @!p1 $0x0  }
0x14: {  	s2 =	sld [smem:$0x3F95];
	s0 =	simm.s32 @p1 $0x1  }
0x15: {  	[smem:$0x3FB2] =	sst s0;
	s0 =	simm.s32 @!p2 $0x0  }
0x16: {  	s3 =	sld [smem:$0x3FDB];
	s0 =	simm.s32 @p2 $0x1  }
0x17: {  	s4 =	simm.s32 $0x1BF5;
	[smem:$0x3FB4] =	sst s0  }
0x18: {  	s0 =	sld [smem:$0x3F97];
	_ =	swait.ge [sflag:s4], $0x0  }
0x19: {  	s7 =	sld [smem:$0x3F98]  }
0x1a: {  	s8 =	sadd.s32 $0xFFFFE003, lr  }
0x1b: {  	s9 =	sadd.s32 $0xFFFFFEF7, lr;
	s5 =	simm.s32 $0xFFFFFFFF;
	p2 =	slt.u32 s8, $0xFFFFF086  }
0x1c: {  	p1 =	slt.u32 s9, $0xF7A;
	s5 =	simm.s32 @!p2 $0x0  }
0x1d: {  	s5 =	simm.s32 @p1 $0x1;
	p0 =	seq.s32 s7, s2  }
0x1e: {  	s7 =	smul.u32 @!p0 $0xF7A, s2;
	p2 =	seq.s32 @!p0 s5, $0x0  }
0x1f: {  	s9 =	smul.u32 $0xF7A, s1;
	s8 =	simm.s32 @!p0 $0x1BF5;
	p2 =	por !p2, p0  }
0x20: {  	[sflag:s8] =	ssyncset.s32 @!p0 $0xFFFFF086;
	s6 =	sadd.s32 @!p0 s3, s7;
	s7 =	simm.s32 @!p0 $0x108  }
0x21: {  	s3 =	sadd.s32 s3, s9;
	s6 =	sadd.s32 @!p0 $0x88, s6;
	s7 =	simm.s32 @p2 $0x1082  }
0x22: {  	[simem:s7], [sflag:s8] =	dma.local @!p0 [hbm:s6], $0xF7A  }
0x23: {  	s9 =	sor.u32 $0xD0000000, s2;
	s6 =	simm.s32 $0x108;
	_ =	swait.ge @!p0 [sflag:s8], $0x0  }
0x24: {  	s3 =	sadd.s32 $0x88, s3;
	s6 =	simm.s32 @!p1 $0x1082;
	[sflag:s4] =	ssyncset.s32 $0xFFFFF086  }
0x25: {  	[simem:s6], [sflag:s4] =	dma.local [hbm:s3], $0xF7A  }
0x26: {  	[smem:$0x3F98] =	sst s1;
	(tag) =	ssettag s2;
	_ =	strace s9  }
0x27: {  	s1 =	sld [smem:$0x3FA8]  }
0x28: {  	s2 =	sld [smem:$0x3FA9]  }
0x29: {  	s4 =	sld [smem:$0x3FAB]  }
0x2a: {  	p0 =	seq.s32 s5, $0x0;
	s5 =	sld [smem:$0x3FAC]  }
0x2b: {  	s6 =	sld [smem:$0x3FAD]  }
0x2c: {  	s7 =	sld [smem:$0x3FAE]  }
0x2d: {  	s3 =	simm.s32 $0x108;
	s8 =	sld [smem:$0x3FAF]  }
0x2e: {  	s3 =	simm.s32 @!p0 $0x1082;
	s9 =	sld [smem:$0x3FB0]  }
0x2f: {  	lr =	sadd.s32 s0, s3;
	s0 =	sld [smem:$0x3FA7]  }
0x30: {  	s3 =	sld [smem:$0x3FAA]  }
0x31: {  	[smem:$0x3FB3] =	sst s10  }
0x32: {  	s10 =	sld [smem:$0x3FB1];
	_ =	sdelay $0x3  }
0x33: {  	p0 =	seq.s32 s10, $0x1;
	s10 =	sld [smem:$0x3FB3];
	_ =	sdelay $0x3  }
0x34: {  	[smem:$0x3FB3] =	sst s10  }
0x35: {  	s10 =	sld [smem:$0x3FB2];
	_ =	sdelay $0x3  }
0x36: {  	p1 =	seq.s32 s10, $0x1;
	s10 =	sld [smem:$0x3FB3];
	_ =	sdelay $0x3  }
0x37: {  	[smem:$0x3FB3] =	sst s10  }
0x38: {  	s10 =	sld [smem:$0x3FB4]  }
0x39: {  	_ = 	snop;
	(pc) =	sbr.ind lr, $3  }
0x3a: {  	_ = 	snop  }
0x3b: {  	_ = 	snop  }
0x3c: {  	p2 =	seq.s32 s10, $0x1;
	s10 =	sld [smem:$0x3FB3]  }
0x3d: {  	_ =	shalt  }
0x3e: {  	_ =	shalt  }
0x3f: {  	_ =	shalt  }
0x40: {  	_ =	shalt  }
0x41: {  	_ =	shalt  }
0x42: {  	_ =	shalt  }
0x43: {  	_ =	shalt  }
0x44: {  	_ =	shalt  }
0x45: {  	_ =	shalt  }
0x46: {  	_ =	shalt  }
0x47: {  	_ =	shalt  }
0x48: {  	_ =	shalt  }
0x49: {  	_ =	shalt  }
0x4a: {  	_ =	shalt  }
0x4b: {  	_ =	shalt  }
0x4c: {  	_ =	shalt  }
0x4d: {  	_ =	shalt  }
0x4e: {  	_ =	shalt  }
0x4f: {  	_ =	shalt  }
0x50: {  	_ =	shalt  }
0x51: {  	_ =	shalt  }
0x52: {  	_ =	shalt  }
0x53: {  	_ =	shalt  }
0x54: {  	_ =	shalt  }
0x55: {  	_ =	shalt  }
0x56: {  	_ =	shalt  }
0x57: {  	_ =	shalt  }
0x58: {  	_ =	shalt  }
0x59: {  	_ =	shalt  }
0x5a: {  	_ =	shalt  }
0x5b: {  	_ =	shalt  }
0x5c: {  	_ =	shalt  }
0x5d: {  	_ =	shalt  }
0x5e: {  	_ =	shalt  }
0x5f: {  	_ =	shalt  }
0x60: {  	_ =	shalt  }
0x61: {  	_ =	shalt  }
0x62: {  	_ =	shalt  }
0x63: {  	_ =	shalt  }
0x64: {  	_ =	shalt  }
0x65: {  	_ =	shalt  }
0x66: {  	_ =	shalt  }
0x67: {  	_ =	shalt  }
0x68: {  	_ =	shalt  }
0x69: {  	_ =	shalt  }
0x6a: {  	_ =	shalt  }
0x6b: {  	_ =	shalt  }
0x6c: {  	_ =	shalt  }
0x6d: {  	_ =	shalt  }
0x6e: {  	_ =	shalt  }
0x6f: {  	_ =	shalt  }
0x70: {  	_ =	shalt  }
0x71: {  	_ =	shalt  }
0x72: {  	_ =	shalt  }
0x73: {  	_ =	shalt  }
0x74: {  	_ =	shalt  }
0x75: {  	_ =	shalt  }
0x76: {  	_ =	shalt  }
0x77: {  	_ =	shalt  }
0x78: {  	_ =	shalt  }
0x79: {  	_ =	shalt  }
0x7a: {  	_ =	shalt  }
0x7b: {  	_ =	shalt  }
0x7c: {  	_ =	shalt  }
0x7d: {  	_ =	shalt  }
0x7e: {  	_ =	shalt  }
0x7f: {  	_ =	shalt  }
0x80: {  	_ =	shalt  }
0x81: {  	_ =	shalt  }
0x82: {  	_ =	shalt  }
0x83: {  	_ =	shalt  }
0x84: {  	_ =	shalt  }
0x85: {  	_ =	shalt  }
0x86: {  	_ =	shalt  }
0x87: {  	_ =	shalt  }
.Lfunc_end0:
.L_simem_size_0:
called_computation.2_lowered:
.L_overlay_start_0:
0x88: {  	s2 =	sld [smem:$0x3FD9]  }
0x89: {  	s3 =	sld [smem:$0x3FFE];
	_ =	sdelay $0x1  }
0x8a: {  	s1 =	srdreg.scid  }
0x8b: {  	s0 =	sand.u32 $0x1, s1  }
0x8c: {  	s16 =	sshll.u32 s0, $0xA;
	s2 =	sadd.s32 s3, s2  }
0x8d: {  	s2 =	sadd.s32 s2, s16  }
0x8e: {  	[smem:$0x3FBF] =	sst s2  }
0x8f: {  	_ = 	snop  }
0x90: {  	(tm) =	ssettm $0x1  }
0x91: {  	s17 =	sld [smem:$0x3FFB];
	_ =	sdelay $0x3  }
0x92: {  	_ =	strace s17  }
0x93: {  	s2 =	sld [smem:$0x3FFC];
	_ =	sdelay $0x3  }
0x94: {  	_ =	strace s2  }
0x95: {  	s2 =	sld [smem:$0x3FFD];
	_ =	sdelay $0x3  }
0x96: {  	_ =	strace s2  }
0x97: {  	_ =	strace $0x8FFFFFFF  }
0x98: {  	s18 =	sld [smem:$0x3FDB];
	_ =	sdelay $0x1  }
0x99: {  	s19 =	simm.s32 $_scs_section_size  }
0x9a: {  	s4 =	simm.s32 $_size__tile_overlayer_lowered;
	s5 =	simm.s32 $_tile_overlayer_lowered  }
0x9b: {  	s22 =	simm.s32 $0x1BFF;
	s21 =	sshll.u32 s5, $0x1;
	s2 =	sadd.s32 s19, s18  }
0x9c: {  	s6 =	simm.s32 $0x0;
	s20 =	sshll.u32 s4, $0x1;
	s4 =	sadd.s32 s21, s2  }
0x9d: {  	[timem:s6], [sflag:s22] =	dma.local [hbm:s4], s20  }
0x9e: {  	_ =	swait.ge [sflag:s22], s20  }
0x9f: {  	s3 =	ssub.s32 $0x0, s20;
	[sflag:s22] =	ssyncset.done $0x0  }
0xa0: {  	[sflag:s22] =	ssyncadd.s32 s3;
	_ =	sdelay $0x1  }
0xa1: {  	s23 =	simm.s32 $0x1B8B  }
0xa2: {  	_ =	swait.ge [sflag:s23], $0x1  }
0xa3: {  	[sflag:s23] =	ssyncset.done $0x0  }
0xa4: {  	s25 =	simm.s32 $0x1B8E;
	s24 =	sld [smem:$0x3FFE];
	[sflag:s23] =	ssyncadd.s32 $0xFFFFFFFF  }
0xa5: {  	s26 =	simm.s32 $execute0_lowered;
	[smem:$0x3FD2] =	sst s25  }
0xa6: {  	s4 =	sshll.u32 s26, $0x1;
	_ =	strace $0x8000004C;
	[dreg:$0x1] =	wrdreg $0xFFFFFFFF  }
0xa7: {  	s28 =	simm.s32 $_size_execute0_lowered;
	s2 =	sadd.s32 s2, s4;
	[dreg:$0x0] =	wrdreg $0x0  }
0xa8: {  	s4 =	sshll.u32 s28, $0x1;
	[dreg:$0x2] =	wrdreg s2  }
0xa9: {  	[dreg:$0x3] =	wrdreg s4  }
0xaa: {  	[dreg:$0x4] =	wrdreg $0xC0  }
0xab: {  	_ =	task [dreg:s6], $0x5FFFF  }
0xac: {  	[dreg:$0x1] =	wrdreg $0xFFFFFFFF  }
0xad: {  	[dreg:$0x0] =	wrdreg $0x60  }
0xae: {  	[dreg:$0x2] =	wrdreg s24  }
0xaf: {  	[dreg:$0x3] =	wrdreg $0x90000  }
0xb0: {  	[dreg:$0x4] =	wrdreg $0x9  }
0xb1: {  	_ =	task.clear_ibuf [dreg:s6], $0x5FFFF;
	_ =	strace $0x9000004C  }
0xb2: {  	s29 =	simm.s32 $0x9;
	_ =	strace $0x8000004E  }
0xb3: {  	_ =	swait.ge [sflag:s29], $0x1  }
0xb4: {  	[sflag:s29] =	ssyncadd.s32 $0xFFFFFFFF  }
0xb5: {  	_ =	strace $0x9000004E  }
0xb6: {  	_ =	sfence  }
0xb7: {  	s30 =	sld [smem:$0x0];
	_ =	sdelay $0x2  }
0xb8: {  	s31 =	sshll.u32 s1, $0xD;
	s1 =	sshrl.u32 s1, $0x2  }
0xb9: {  	s3 =	sand.u32 $0x4000, s31;
	s1 =	sadd.s32 s1, s30  }
0xba: {  	s0 =	sor.u32 s3, s0;
	s1 =	sshll.u32 s1, $0x11  }
0xbb: {  	s0 =	sor.u32 s1, s0  }
0xbc: {  	s0 =	sadd.s32 $0x8F2B, s0  }
0xbd: {  	[sflag:s0] =	ssyncadd.remote.s32 $0x1  }
0xbe: {  	_ =	sfence.sel $0xFFFF  }
0xbf: {  	[dreg:$0x0] =	wrdreg $0xFFFFFFFF;
	(pc) =	sbr.abs _section_cstart, $3  }
0xc0: {  	[dreg:$0x1] =	wrdreg $0xFFFFFFFF  }
0xc1: {  	_ =	task.clear_ibuf [dreg:s6], $0x2FFFF;
	_ =	strace $0x9FFFFFFF  }
0xc2: {  	(tm) =	ssettm $0x7FFFFFFF  }
0xc3: {  	_ =	shalt  }
tec
execute0_lowered:
.L_overlay_start_1:
0x0: {  	(tag) =	ssettag $0x1  }
0x1: {  	s0 =	srdreg.scid;
	s6 =	rddreg [dreg:$0x0]  }
0x2: {  	s2 =	rddreg [dreg:$0x1];
	s3 =	simm.s32 $0x0;
	s14 =	simm.s32 $0x5000  }
0x3: {  	s15 =	simm.s32 $0x2;
	s16 =	simm.s32 $0x2800;
	s5 =	sand.u32 $0x1, s0  }
0x4: {  	s17 =	simm.s32 $0x80;
	s0 =	stileid.u32;
	s7 =	smul.u32 $0x140000, s5  }
0x5: {  	s18 =	simm.s32 $0x1;
	[smem:$0x7FF] =	sst s3;
	s8 =	smul.u32 $0x14000, s0  }
0x6: {  	s1 =	sshll.u32 s5, $0x4;
	s9 =	smul.u32 $0x50000, s0;
	s29 =	ssub.s32 $0x2, s5  }
0x7: {  	s19 =	sshll.u32 s0, $0x6;
	s1 =	sor.u32 s0, s1;
	s31 =	sshrl.u32 s29, $0x1  }
0x8: {  	s19 =	sor.u32 $0x1C02, s19;
	s4 =	smul.u32 $0x500, s1;
	s1 =	rddreg [dreg:$0x2]  }
0x9: {  	_ =	strace $0x8000004D;
	s7 =	sadd.s32 s8, s7;
	s30 =	sshrl.u32 s9, $0x2  }
0xa: {  	s13 =	ssub.s32 s29, s31;
	s7 =	sshrl.u32 s7, $0x3;
	s5 =	sadd.s32 s30, s2  }
0xb: {  	s13 =	smax.u32 s13, $0x1;
	s11 =	sadd.s32 s4, s6;
	s4 =	sadd.s32 $0x77A00, s6  }
0xc: {  	s12 =	sadd.s32 s7, s6;
	s6 =	sadd.s32 $0x4000, s5;
	s7 =	sadd.s32 $0x8000, s5  }
0xd: {  	s8 =	sadd.s32 $0xC000, s5;
	s9 =	sadd.s32 $0x10000, s5;
	s20 =	sshrl.u32 s5, $0x3  }
0xe: {  	v0 =	vimm.f32 $0.0e+00;
	s10 =	sadd.s32 $0x1DA00, s11;
	s11 =	sadd.s32 $0x3000, s11;
	s12 =	sadd.s32 $0x9FA00, s12  }
.LBB2_1:
0xf: {  	s21 =	simm.s32 $0x0;
	s22 =	simm.s32 $0x200  }
.LBB2_2:
0x10: {  	p0 =	sne.s32 s22, $0xFE00;
	[tilespmem:s21+$0x5070] =	vst v0  }
0x11: {  	[tilespmem:s21+$0x5000] =	vst v0  }
0x12: {  	[tilespmem:s21+$0x5010] =	vst v0  }
.Ltmp0:
0x13: {  	[tilespmem:s21+$0x5020] =	vst v0;
	(pc) =	sbr.rel @p0 .LBB2_2-.Ltmp0, $4  }
0x14: {  	[tilespmem:s21+$0x5030] =	vst v0  }
0x15: {  	[tilespmem:s21+$0x5040] =	vst v0  }
0x16: {  	[tilespmem:s21+$0x5050] =	vst v0  }
0x17: {  	[tilespmem:s21+$0x5060] =	vst v0;
	s21 =	sshra.s32 s22, $0x2;
	s22 =	sadd.s32 $0x200, s22  }
0x18: {  	[tilespmem:s21+$0x5070] =	vst v0  }
0x19: {  	[tilespmem:s21+$0x5000] =	vst v0  }
0x1a: {  	[tilespmem:s21+$0x5010] =	vst v0  }
0x1b: {  	[tilespmem:s21+$0x5020] =	vst v0  }
0x1c: {  	[tilespmem:s21+$0x5030] =	vst v0  }
0x1d: {  	[tilespmem:s21+$0x5040] =	vst v0  }
0x1e: {  	[tilespmem:s21+$0x5050] =	vst v0  }
0x1f: {  	[tilespmem:s21+$0x5060] =	vst v0  }
0x20: {  	[spmem:s5] =	stream.linear.scatter [tilespmem:s14], [sflag:$0x2], $0x4000, $0x38;
	[tilespmem:$0x1D000] =	vst v63  }
0x21: {  	_ =	swait.ge [sflag:s15], $0x4000  }
0x22: {  	[sflag:s15] =	ssyncset.done $0x0  }
0x23: {  	[sflag:s15] =	ssyncadd.s32 $0xFFFFC000  }
0x24: {  	[spmem:s6] =	stream.linear.scatter [tilespmem:s14], [sflag:$0x2], $0x4000, $0x38;
	[tilespmem:$0x1D000] =	vst v63  }
0x25: {  	_ =	swait.ge [sflag:s15], $0x4000  }
0x26: {  	[sflag:s15] =	ssyncset.done $0x0  }
0x27: {  	[sflag:s15] =	ssyncadd.s32 $0xFFFFC000  }
0x28: {  	[spmem:s7] =	stream.linear.scatter [tilespmem:s14], [sflag:$0x2], $0x4000, $0x38;
	[tilespmem:$0x1D000] =	vst v63  }
0x29: {  	_ =	swait.ge [sflag:s15], $0x4000  }
0x2a: {  	[sflag:s15] =	ssyncset.done $0x0  }
0x2b: {  	[sflag:s15] =	ssyncadd.s32 $0xFFFFC000  }
0x2c: {  	[spmem:s8] =	stream.linear.scatter [tilespmem:s14], [sflag:$0x2], $0x4000, $0x38;
	[tilespmem:$0x1D000] =	vst v63  }
0x2d: {  	_ =	swait.ge [sflag:s15], $0x4000  }
0x2e: {  	[sflag:s15] =	ssyncset.done $0x0  }
0x2f: {  	[sflag:s15] =	ssyncadd.s32 $0xFFFFC000  }
0x30: {  	[spmem:s9] =	stream.linear.scatter [tilespmem:s14], [sflag:$0x2], $0x4000, $0x38;
	[tilespmem:$0x1D000] =	vst v63  }
0x31: {  	_ =	swait.ge [sflag:s15], $0x4000  }
0x32: {  	[sflag:s15] =	ssyncset.done $0x0  }
0x33: {  	[sflag:s15] =	ssyncadd.s32 $0xFFFFC000  }
0x34: {  	s29 =	simm.s32 $0x0;
	[bflag:$0x0] =	sbarrier.arrive $0xFFFF  }
0x35: {  	[tilespmem:s29], [sflag:$0x2] =	stream.linear.gather [hbm4b:s10+s29], $0x2780, $0x38;
	[tilespmem:$0x1D000] =	vst v63  }
0x36: {  	_ =	swait.ge [sflag:s15], $0x2780  }
0x37: {  	[sflag:s15] =	ssyncset.done $0x0  }
0x38: {  	[sflag:s15] =	ssyncadd.s32 $0xFFFFD880  }
0x39: {  	[tilespmem:s16], [sflag:$0x2] =	stream.linear.gather [hbm4b:s11+s29], $0x2780, $0x38;
	[tilespmem:$0x1D000] =	vst v63  }
0x3a: {  	_ =	swait.ge [sflag:s15], $0x2780  }
0x3b: {  	[sflag:s15] =	ssyncset.done $0x0  }
0x3c: {  	s30 =	simm.s32 $0x0;
	[sflag:s15] =	ssyncadd.s32 $0xFFFFD880  }
0x3d: {  	[tilespmem:s14], [sflag:$0x1] =	stream.indirect.gather [hbm4b:s4+s17], $0x80, s30, s17, $0xb8;
	[tilespmem:$0x1D000] =	vst v63  }
0x3e: {  	_ =	swait.ge [sflag:s18], $0x4000  }
0x3f: {  	[sflag:s18] =	ssyncset.done $0x0  }
0x40: {  	s31 =	simm.s32 $0x2800;
	[sflag:s18] =	ssyncadd.s32 $0xFFFFC000  }
0x41: {  	[spmem:s2] =	stream.indirect.scatter.add.f32 [tilespmem:s14], [sflag:$0x2], $0x80, s31, s17, $0xb8;
	[tilespmem:$0x1D000] =	vst v63  }
0x42: {  	_ =	swait.ge [sflag:s15], $0x4000  }
0x43: {  	s21 =	simm.s32 $0x200;
	s22 =	simm.s32 $0x400;
	[sflag:s15] =	ssyncset.done $0x0  }
.LBB2_4:
0x44: {  	s23 =	sshra.s32 s21, $0x2  }
0x45: {  	[sflag:s15] =	ssyncadd.s32 $0xFFFFC000;
	s21 =	smov.u32 s22;
	s24 =	sadd.s32 $0x200, s22  }
0x46: {  	[tilespmem:s14], [sflag:$0x1] =	stream.indirect.gather [hbm4b:s4+s17], $0x80, s23, s17, $0xb8;
	[tilespmem:$0x1D000] =	vst v63  }
0x47: {  	p0 =	sne.s32 s22, $0x9C00;
	_ =	swait.ge [sflag:s18], $0x4000  }
.Ltmp1:
0x48: {  	[sflag:s18] =	ssyncset.done $0x0;
	(pc) =	sbr.rel @p0 .LBB2_4-.Ltmp1, $4  }
0x49: {  	s22 =	sadd.s32 $0x2800, s23;
	[sflag:s18] =	ssyncadd.s32 $0xFFFFC000  }
0x4a: {  	[spmem:s2] =	stream.indirect.scatter.add.f32 [tilespmem:s14], [sflag:$0x2], $0x80, s22, s17, $0xb8;
	[tilespmem:$0x1D000] =	vst v63  }
0x4b: {  	_ =	swait.ge [sflag:s15], $0x4000  }
0x4c: {  	s22 =	smov.u32 s24;
	[sflag:s15] =	ssyncset.done $0x0  }
0x4d: {  	s21 =	sshra.s32 s21, $0x2;
	[sflag:s15] =	ssyncadd.s32 $0xFFFFC000  }
0x4e: {  	[tilespmem:s14], [sflag:$0x1] =	stream.indirect.gather [hbm4b:s4+s17], $0x80, s21, s17, $0xb8;
	[tilespmem:$0x1D000] =	vst v63  }
0x4f: {  	_ =	swait.ge [sflag:s18], $0x4000  }
0x50: {  	[sflag:s18] =	ssyncset.done $0x0  }
0x51: {  	s21 =	sadd.s32 $0x2800, s21;
	[sflag:s18] =	ssyncadd.s32 $0xFFFFC000  }
0x52: {  	[spmem:s2] =	stream.indirect.scatter.add.f32 [tilespmem:s14], [sflag:$0x2], $0x80, s21, s17, $0xb8;
	[tilespmem:$0x1D000] =	vst v63  }
0x53: {  	_ =	swait.ge [sflag:s15], $0x4000  }
0x54: {  	s3 =	sadd.s32 $0x1, s3;
	[sflag:s15] =	ssyncset.done $0x0  }
0x55: {  	p0 =	sne.s32 s3, s13;
	[sflag:s15] =	ssyncadd.s32 $0xFFFFC000  }
.Ltmp2:
0x56: {  	[bflag:$0x0] =	sbarrier.arrive $0xFFFF;
	(pc) =	sbr.rel @p0 .LBB2_1-.Ltmp2, $4  }
0x57: {  	[hbm:s12], [sflag:s19] =	dma.local [spmem:s20], $0x2800  }
0x58: {  	_ =	swait.ge [sflag:s15], $0x2800  }
0x59: {  	[sflag:s15] =	ssyncset.done $0x0  }
0x5a: {  	[sflag:s15] =	ssyncadd.s32 $0xFFFFD800  }
0x5b: {  	_ =	sfence.sel $0x180000  }
0x5c: {  	[bflag:$0x0] =	sbarrier.arrive $0xFFFF  }
0x5d: {  	p0 =	sne.s32 s0, $0x0;
	_ =	strace $0x9000004D  }
0x5e: {  	s0 =	sadd.s32 @!p0 $0x100000, s1;
	[bflag:$0x2] =	sbarrier.arrive $0xFFFF  }
0x5f: {  	[sflag:s0] =	ssyncadd.tile.s32 @!p0 $0x1;
	_ =	shalt  }
.Lfunc_end2:
_tile_overlayer_lowered:
.L_overlay_start_2:
0x60: {  	(tag) =	ssettag $0x2  }
0x61: {  	s0 =	rddreg [dreg:$0x0];
	s2 =	stileid.u32  }
0x62: {  	s1 =	rddreg [dreg:$0x1];
	p0 =	sne.s32 s2, $0x0  }
0x63: {  	s3 =	rddreg [dreg:$0x2];
	[bflag:$0x3] =	sbarrier.arrive $0xFFFF;
	s2 =	simm.s32 @!p0 $0x1C02  }
0x64: {  	[timem:s3], [sflag:s2] =	dma.local @!p0 [hbm:s0], s1  }
0x65: {  	s0 =	simm.s32 @!p0 $0x2  }
0x66: {  	_ =	swait.ge @!p0 [sflag:s0], s1  }
0x67: {  	s1 =	ssub.s32 @!p0 $0x0, s1;
	[sflag:s0] =	ssyncset.done @!p0 $0x0  }
0x68: {  	[sflag:s0] =	ssyncadd.s32 @!p0 s1  }
0x69: {  	[bflag:$0x3] =	sbarrier.arrive $0xFFFF  }
0x6a: {  	_ =	shalt  }

// kernel: kernel.19.cloned.1.call-start
scs
__scs_entry_jumppad:
0x0: {  	(pc) =	sbr.rel $0x88, $3  }
0x1: {  	(tag) =	ssettag $0x0;
	lr =	simm.s32 $0x1  }
0x2: {  	[smem:$0x3F98] =	sst lr;
	_ =	strace $0xD0000000  }
0x3: {  	_ = 	snop  }
0x4: {  	_ = 	snop  }
0x5: {  	_ = 	snop  }
0x6: {  	_ = 	snop  }
0x7: {  	_ = 	snop  }
__scs_overlays_trampoline_lowered:
0x8: {  	[smem:$0x3FA7] =	sst s0  }
0x9: {  	[smem:$0x3FA8] =	sst s1  }
0xa: {  	[smem:$0x3FA9] =	sst s2  }
0xb: {  	[smem:$0x3FAA] =	sst s3  }
0xc: {  	[smem:$0x3FAB] =	sst s4  }
0xd: {  	[smem:$0x3FAC] =	sst s5  }
0xe: {  	[smem:$0x3FAD] =	sst s6  }
0xf: {  	[smem:$0x3FAE] =	sst s7  }
0x10: {  	[smem:$0x3FAF] =	sst s8  }
0x11: {  	[smem:$0x3FB0] =	sst s9;
	s0 =	simm.s32 @!p0 $0x0  }
0x12: {  	s1 =	sld [smem:$0x3F96];
	s0 =	simm.s32 @p0 $0x1  }
0x13: {  	[smem:$0x3FB1] =	sst s0;
	s0 =	simm.s32 @!p1 $0x0  }
0x14: {  	s2 =	sld [smem:$0x3F95];
	s0 =	simm.s32 @p1 $0x1  }
0x15: {  	[smem:$0x3FB2] =	sst s0;
	s0 =	simm.s32 @!p2 $0x0  }
0x16: {  	s3 =	sld [smem:$0x3FDB];
	s0 =	simm.s32 @p2 $0x1  }
0x17: {  	s4 =	simm.s32 $0x1BF5;
	[smem:$0x3FB4] =	sst s0  }
0x18: {  	s0 =	sld [smem:$0x3F97];
	_ =	swait.ge [sflag:s4], $0x0  }
0x19: {  	s7 =	sld [smem:$0x3F98]  }
0x1a: {  	s8 =	sadd.s32 $0xFFFFE003, lr  }
0x1b: {  	s9 =	sadd.s32 $0xFFFFFEF7, lr;
	s5 =	simm.s32 $0xFFFFFFFF;
	p2 =	slt.u32 s8, $0xFFFFF086  }
0x1c: {  	p1 =	slt.u32 s9, $0xF7A;
	s5 =	simm.s32 @!p2 $0x0  }
0x1d: {  	s5 =	simm.s32 @p1 $0x1;
	p0 =	seq.s32 s7, s2  }
0x1e: {  	s7 =	smul.u32 @!p0 $0xF7A, s2;
	p2 =	seq.s32 @!p0 s5, $0x0  }
0x1f: {  	s9 =	smul.u32 $0xF7A, s1;
	s8 =	simm.s32 @!p0 $0x1BF5;
	p2 =	por !p2, p0  }
0x20: {  	[sflag:s8] =	ssyncset.s32 @!p0 $0xFFFFF086;
	s6 =	sadd.s32 @!p0 s3, s7;
	s7 =	simm.s32 @!p0 $0x108  }
0x21: {  	s3 =	sadd.s32 s3, s9;
	s6 =	sadd.s32 @!p0 $0x88, s6;
	s7 =	simm.s32 @p2 $0x1082  }
0x22: {  	[simem:s7], [sflag:s8] =	dma.local @!p0 [hbm:s6], $0xF7A  }
0x23: {  	s9 =	sor.u32 $0xD0000000, s2;
	s6 =	simm.s32 $0x108;
	_ =	swait.ge @!p0 [sflag:s8], $0x0  }
0x24: {  	s3 =	sadd.s32 $0x88, s3;
	s6 =	simm.s32 @!p1 $0x1082;
	[sflag:s4] =	ssyncset.s32 $0xFFFFF086  }
0x25: {  	[simem:s6], [sflag:s4] =	dma.local [hbm:s3], $0xF7A  }
0x26: {  	[smem:$0x3F98] =	sst s1;
	(tag) =	ssettag s2;
	_ =	strace s9  }
0x27: {  	s1 =	sld [smem:$0x3FA8]  }
0x28: {  	s2 =	sld [smem:$0x3FA9]  }
0x29: {  	s4 =	sld [smem:$0x3FAB]  }
0x2a: {  	p0 =	seq.s32 s5, $0x0;
	s5 =	sld [smem:$0x3FAC]  }
0x2b: {  	s6 =	sld [smem:$0x3FAD]  }
0x2c: {  	s7 =	sld [smem:$0x3FAE]  }
0x2d: {  	s3 =	simm.s32 $0x108;
	s8 =	sld [smem:$0x3FAF]  }
0x2e: {  	s3 =	simm.s32 @!p0 $0x1082;
	s9 =	sld [smem:$0x3FB0]  }
0x2f: {  	lr =	sadd.s32 s0, s3;
	s0 =	sld [smem:$0x3FA7]  }
0x30: {  	s3 =	sld [smem:$0x3FAA]  }
0x31: {  	[smem:$0x3FB3] =	sst s10  }
0x32: {  	s10 =	sld [smem:$0x3FB1];
	_ =	sdelay $0x3  }
0x33: {  	p0 =	seq.s32 s10, $0x1;
	s10 =	sld [smem:$0x3FB3];
	_ =	sdelay $0x3  }
0x34: {  	[smem:$0x3FB3] =	sst s10  }
0x35: {  	s10 =	sld [smem:$0x3FB2];
	_ =	sdelay $0x3  }
0x36: {  	p1 =	seq.s32 s10, $0x1;
	s10 =	sld [smem:$0x3FB3];
	_ =	sdelay $0x3  }
0x37: {  	[smem:$0x3FB3] =	sst s10  }
0x38: {  	s10 =	sld [smem:$0x3FB4]  }
0x39: {  	_ = 	snop;
	(pc) =	sbr.ind lr, $3  }
0x3a: {  	_ = 	snop  }
0x3b: {  	_ = 	snop  }
0x3c: {  	p2 =	seq.s32 s10, $0x1;
	s10 =	sld [smem:$0x3FB3]  }
0x3d: {  	_ =	shalt  }
0x3e: {  	_ =	shalt  }
0x3f: {  	_ =	shalt  }
0x40: {  	_ =	shalt  }
0x41: {  	_ =	shalt  }
0x42: {  	_ =	shalt  }
0x43: {  	_ =	shalt  }
0x44: {  	_ =	shalt  }
0x45: {  	_ =	shalt  }
0x46: {  	_ =	shalt  }
0x47: {  	_ =	shalt  }
0x48: {  	_ =	shalt  }
0x49: {  	_ =	shalt  }
0x4a: {  	_ =	shalt  }
0x4b: {  	_ =	shalt  }
0x4c: {  	_ =	shalt  }
0x4d: {  	_ =	shalt  }
0x4e: {  	_ =	shalt  }
0x4f: {  	_ =	shalt  }
0x50: {  	_ =	shalt  }
0x51: {  	_ =	shalt  }
0x52: {  	_ =	shalt  }
0x53: {  	_ =	shalt  }
0x54: {  	_ =	shalt  }
0x55: {  	_ =	shalt  }
0x56: {  	_ =	shalt  }
0x57: {  	_ =	shalt  }
0x58: {  	_ =	shalt  }
0x59: {  	_ =	shalt  }
0x5a: {  	_ =	shalt  }
0x5b: {  	_ =	shalt  }
0x5c: {  	_ =	shalt  }
0x5d: {  	_ =	shalt  }
0x5e: {  	_ =	shalt  }
0x5f: {  	_ =	shalt  }
0x60: {  	_ =	shalt  }
0x61: {  	_ =	shalt  }
0x62: {  	_ =	shalt  }
0x63: {  	_ =	shalt  }
0x64: {  	_ =	shalt  }
0x65: {  	_ =	shalt  }
0x66: {  	_ =	shalt  }
0x67: {  	_ =	shalt  }
0x68: {  	_ =	shalt  }
0x69: {  	_ =	shalt  }
0x6a: {  	_ =	shalt  }
0x6b: {  	_ =	shalt  }
0x6c: {  	_ =	shalt  }
0x6d: {  	_ =	shalt  }
0x6e: {  	_ =	shalt  }
0x6f: {  	_ =	shalt  }
0x70: {  	_ =	shalt  }
0x71: {  	_ =	shalt  }
0x72: {  	_ =	shalt  }
0x73: {  	_ =	shalt  }
0x74: {  	_ =	shalt  }
0x75: {  	_ =	shalt  }
0x76: {  	_ =	shalt  }
0x77: {  	_ =	shalt  }
0x78: {  	_ =	shalt  }
0x79: {  	_ =	shalt  }
0x7a: {  	_ =	shalt  }
0x7b: {  	_ =	shalt  }
0x7c: {  	_ =	shalt  }
0x7d: {  	_ =	shalt  }
0x7e: {  	_ =	shalt  }
0x7f: {  	_ =	shalt  }
0x80: {  	_ =	shalt  }
0x81: {  	_ =	shalt  }
0x82: {  	_ =	shalt  }
0x83: {  	_ =	shalt  }
0x84: {  	_ =	shalt  }
0x85: {  	_ =	shalt  }
0x86: {  	_ =	shalt  }
0x87: {  	_ =	shalt  }
.Lfunc_end0:
.L_simem_size_0:
called_computation.3_lowered:
.L_overlay_start_0:
0x88: {  	s2 =	sld [smem:$0x3FD9]  }
0x89: {  	s3 =	sld [smem:$0x3FFE];
	_ =	sdelay $0x1  }
0x8a: {  	s1 =	srdreg.scid  }
0x8b: {  	s0 =	sand.u32 $0x1, s1  }
0x8c: {  	s17 =	sshll.u32 s0, $0xA;
	s2 =	sadd.s32 s3, s2  }
0x8d: {  	s2 =	sadd.s32 s2, s17  }
0x8e: {  	[smem:$0x3FBF] =	sst s2  }
0x8f: {  	_ = 	snop  }
0x90: {  	s2 =	sld [smem:$0x3FC8];
	(tm) =	ssettm $0x1  }
0x91: {  	s18 =	sld [smem:$0x3FFB];
	_ =	sdelay $0x3  }
0x92: {  	_ =	strace s18  }
0x93: {  	s3 =	sld [smem:$0x3FFC];
	_ =	sdelay $0x3  }
0x94: {  	_ =	strace s3  }
0x95: {  	s3 =	sld [smem:$0x3FFD];
	_ =	sdelay $0x3  }
0x96: {  	_ =	strace s3  }
0x97: {  	_ =	strace $0x8FFFFFFF  }
0x98: {  	s19 =	sld [smem:$0x3FDB];
	_ =	sdelay $0x1  }
0x99: {  	s4 =	simm.s32 $_scs_section_size  }
0x9a: {  	s5 =	simm.s32 $_size__tile_overlayer_lowered;
	s6 =	simm.s32 $_tile_overlayer_lowered  }
0x9b: {  	s22 =	simm.s32 $0x1BFF;
	s21 =	sshll.u32 s6, $0x1;
	s3 =	sadd.s32 s4, s19  }
0x9c: {  	s7 =	simm.s32 $0x0;
	s20 =	sshll.u32 s5, $0x1;
	s5 =	sadd.s32 s21, s3  }
0x9d: {  	[timem:s7], [sflag:s22] =	dma.local [hbm:s5], s20  }
0x9e: {  	_ =	swait.ge [sflag:s22], s20  }
0x9f: {  	s4 =	ssub.s32 $0x0, s20;
	[sflag:s22] =	ssyncset.done $0x0  }
0xa0: {  	[sflag:s22] =	ssyncadd.s32 s4;
	_ =	sdelay $0x1  }
0xa1: {  	s23 =	simm.s32 $0x1B8B  }
0xa2: {  	_ =	swait.ge [sflag:s23], $0x1  }
0xa3: {  	[sflag:s23] =	ssyncset.done $0x0  }
0xa4: {  	s25 =	simm.s32 $0x1B8E;
	s24 =	sld [smem:$0x3FFE];
	[sflag:s23] =	ssyncadd.s32 $0xFFFFFFFF  }
0xa5: {  	s26 =	simm.s32 $execute0_lowered;
	[smem:$0x3FD2] =	sst s25  }
0xa6: {  	s5 =	sshll.u32 s26, $0x1;
	_ =	strace $0x8000004F;
	[dreg:$0x1] =	wrdreg $0xFFFFFFFF  }
0xa7: {  	s28 =	simm.s32 $_size_execute0_lowered;
	s3 =	sadd.s32 s3, s5;
	[dreg:$0x0] =	wrdreg $0x0  }
0xa8: {  	s5 =	sshll.u32 s28, $0x1;
	[dreg:$0x2] =	wrdreg s3  }
0xa9: {  	[dreg:$0x3] =	wrdreg s5  }
0xaa: {  	[dreg:$0x4] =	wrdreg $0xC0  }
0xab: {  	_ =	task [dreg:s7], $0x5FFFF  }
0xac: {  	[dreg:$0x1] =	wrdreg $0xFFFFFFFF  }
0xad: {  	[dreg:$0x0] =	wrdreg $0x60  }
0xae: {  	[dreg:$0x2] =	wrdreg s2  }
0xaf: {  	[dreg:$0x3] =	wrdreg s24  }
0xb0: {  	[dreg:$0x4] =	wrdreg $0x9  }
0xb1: {  	_ =	task.clear_ibuf [dreg:s7], $0x5FFFF;
	_ =	strace $0x9000004F  }
0xb2: {  	s29 =	simm.s32 $0x9;
	_ =	strace $0x80000051  }
0xb3: {  	_ =	swait.ge [sflag:s29], $0x1  }
0xb4: {  	[sflag:s29] =	ssyncadd.s32 $0xFFFFFFFF  }
0xb5: {  	_ =	strace $0x90000051  }
0xb6: {  	_ =	sfence  }
0xb7: {  	s30 =	sld [smem:$0x0];
	_ =	sdelay $0x2  }
0xb8: {  	s31 =	sshll.u32 s1, $0xD;
	s1 =	sshrl.u32 s1, $0x2  }
0xb9: {  	s3 =	sand.u32 $0x4000, s31;
	s1 =	sadd.s32 s1, s30  }
0xba: {  	s0 =	sor.u32 s3, s0;
	s1 =	sshll.u32 s1, $0x11  }
0xbb: {  	s0 =	sor.u32 s1, s0  }
0xbc: {  	s0 =	sadd.s32 $0x8F2B, s0  }
0xbd: {  	[sflag:s0] =	ssyncadd.remote.s32 $0x1  }
0xbe: {  	_ =	sfence.sel $0xFFFF  }
0xbf: {  	[dreg:$0x0] =	wrdreg $0xFFFFFFFF;
	(pc) =	sbr.abs _section_cstart, $3  }
0xc0: {  	[dreg:$0x1] =	wrdreg $0xFFFFFFFF  }
0xc1: {  	_ =	task.clear_ibuf [dreg:s7], $0x2FFFF;
	_ =	strace $0x9FFFFFFF  }
0xc2: {  	(tm) =	ssettm $0x7FFFFFFF  }
0xc3: {  	_ =	shalt  }
tec
execute0_lowered:
.L_overlay_start_1:
0x0: {  	(tag) =	ssettag $0x1  }
0x1: {  	s3 =	rddreg [dreg:$0x0]  }
0x2: {  	s0 =	srdreg.scid;
	s8 =	rddreg [dreg:$0x1]  }
0x3: {  	s1 =	stileid.u32;
	s7 =	simm.s32 $0x1;
	s6 =	sand.u32 $0x1, s0  }
0x4: {  	s0 =	rddreg [dreg:$0x2];
	s4 =	sshll.u32 s1, $0x4;
	s2 =	sshll.u32 s6, $0x4  }
0x5: {  	s4 =	sand.u32 $0x70, s4;
	s10 =	ssub.s32 $0x2, s6;
	s9 =	sor.u32 s1, s2  }
0x6: {  	s6 =	simm.s32 $0x80;
	s2 =	simm.s32 $0x0;
	s5 =	sshll.u32 s9, $0x4  }
0x7: {  	s3 =	sadd.s32 s3, s4;
	[smem:$0x7FF] =	sst s2;
	s5 =	sand.u32 $0x180, s5  }
0x8: {  	_ =	strace $0x80000050;
	s4 =	sadd.s32 s5, s3;
	s3 =	simm.s32 $0x2  }
0x9: {  	[tilespmem:s2], [sflag:$0x2] =	stream.linear.gather [hbm4b:s4+s2], $0x80, $0x38;
	[tilespmem:$0x4080] =	vst v63  }
0xa: {  	s11 =	sshrl.u32 s10, $0x1;
	s9 =	sshll.u32 s9, $0xB;
	_ =	swait.ge [sflag:s3], $0x80  }
0xb: {  	s31 =	ssub.s32 s10, s11;
	s5 =	sadd.s32 $0x1DA00, s8;
	[sflag:s3] =	ssyncset.done $0x0  }
0xc: {  	s8 =	sadd.s32 s9, s8;
	s9 =	smax.u32 s31, $0x1;
	[sflag:s3] =	ssyncadd.s32 $0xFFFFFF80  }
0xd: {  	[tilespmem:s6], [sflag:$0x1] =	stream.indirect.gather [hbm4b:s5+s6], $0x80, s2, s6, $0xb8;
	[tilespmem:$0x4080] =	vst v63  }
0xe: {  	p0 =	sne.s32 s9, $0x1;
	_ =	swait.ge [sflag:s7], $0x4000  }
.Ltmp0:
0xf: {  	[sflag:s7] =	ssyncset.done $0x0;
	(pc) =	sbr.rel @!p0 .LBB2_2-.Ltmp0, $4  }
0x10: {  	s8 =	sadd.s32 $0x45A00, s8;
	[sflag:s7] =	ssyncadd.s32 $0xFFFFC000  }
0x11: {  	[hbm4b:s8+s2] =	stream.linear.scatter [tilespmem:s6], [sflag:$0x2], $0x4000, $0x38;
	[tilespmem:$0x4080] =	vst v63  }
0x12: {  	_ =	swait.ge [sflag:s3], $0x4000  }
0x13: {  	s9 =	sadd.s32 $0xFFFFFFFF, s9;
	[sflag:s3] =	ssyncset.done $0x0  }
.LBB2_1:
0x14: {  	p0 =	sne.s32 s9, $0x1;
	s9 =	sadd.s32 $0xFFFFFFFF, s9;
	[sflag:s3] =	ssyncadd.s32 $0xFFFFC000  }
0x15: {  	[tilespmem:s2], [sflag:$0x2] =	stream.linear.gather [hbm4b:s4+s2], $0x80, $0x38;
	[tilespmem:$0x4080] =	vst v63  }
0x16: {  	_ =	swait.ge [sflag:s3], $0x80  }
0x17: {  	[sflag:s3] =	ssyncset.done $0x0  }
0x18: {  	[sflag:s3] =	ssyncadd.s32 $0xFFFFFF80  }
0x19: {  	[tilespmem:s6], [sflag:$0x1] =	stream.indirect.gather [hbm4b:s5+s6], $0x80, s2, s6, $0xb8;
	[tilespmem:$0x4080] =	vst v63  }
0x1a: {  	_ =	swait.ge [sflag:s7], $0x4000  }
.Ltmp1:
0x1b: {  	[sflag:s7] =	ssyncset.done $0x0;
	(pc) =	sbr.rel @p0 .LBB2_1-.Ltmp1, $4  }
0x1c: {  	[sflag:s7] =	ssyncadd.s32 $0xFFFFC000  }
0x1d: {  	[hbm4b:s8+s2] =	stream.linear.scatter [tilespmem:s6], [sflag:$0x2], $0x4000, $0x38;
	[tilespmem:$0x4080] =	vst v63  }
0x1e: {  	_ =	swait.ge [sflag:s3], $0x4000  }
0x1f: {  	[sflag:s3] =	ssyncset.done $0x0  }
.LBB2_2:
0x20: {  	[sflag:s3] =	ssyncadd.s32 $0xFFFFC000  }
0x21: {  	_ =	sfence.sel $0x180000  }
0x22: {  	[bflag:$0x0] =	sbarrier.arrive $0xFFFF  }
0x23: {  	p0 =	sne.s32 s1, $0x0;
	_ =	strace $0x90000050  }
0x24: {  	s0 =	sadd.s32 @!p0 $0x100000, s0;
	[bflag:$0x2] =	sbarrier.arrive $0xFFFF  }
0x25: {  	[sflag:s0] =	ssyncadd.tile.s32 @!p0 $0x1;
	_ =	shalt  }
.Lfunc_end2:
_tile_overlayer_lowered:
.L_overlay_start_2:
0x26: {  	(tag) =	ssettag $0x2  }
0x27: {  	s0 =	rddreg [dreg:$0x0];
	s2 =	stileid.u32  }
0x28: {  	s1 =	rddreg [dreg:$0x1];
	p0 =	sne.s32 s2, $0x0  }
0x29: {  	s3 =	rddreg [dreg:$0x2];
	[bflag:$0x3] =	sbarrier.arrive $0xFFFF;
	s2 =	simm.s32 @!p0 $0x1C02  }
0x2a: {  	[timem:s3], [sflag:s2] =	dma.local @!p0 [hbm:s0], s1  }
0x2b: {  	s0 =	simm.s32 @!p0 $0x2  }
0x2c: {  	_ =	swait.ge @!p0 [sflag:s0], s1  }
0x2d: {  	s1 =	ssub.s32 @!p0 $0x0, s1;
	[sflag:s0] =	ssyncset.done @!p0 $0x0  }
0x2e: {  	[sflag:s0] =	ssyncadd.s32 @!p0 s1  }
0x2f: {  	[bflag:$0x3] =	sbarrier.arrive $0xFFFF  }
0x30: {  	_ =	shalt  }

</sc_bundles>
